<compile_context>
chip_gen: v7x
topology: tpu7x:2x2x1
jax: 0.10.2.dev20260603
libtpu: 0.0.44.dev20260713+nightly
codegen_flags: <defaults>
</compile_context>

<pallas_src>
import functools

import jax
import jax.numpy as jnp
from jax import lax
from jax.experimental import pallas as pl
from jax.experimental.pallas import tpu as pltpu
from jax.experimental.pallas import tpu_sc as plsc

B, T = 4, 8192
V, D = 8192, 1024
B_TOTAL = B * T
NC, NS = 2, 16
NW = NC * NS
B_PER_W = B_TOTAL // NW
W_PER_ROW = T // B_PER_W
CHUNK = 8
N_CHUNKS = B_PER_W // CHUNK
NBUF = 8


def _sc_gather(t_indices, pe):
    mesh = plsc.VectorSubcoreMesh(core_axis_name="c", subcore_axis_name="s")

    @functools.partial(
        pl.kernel,
        mesh=mesh,
        out_type=jax.ShapeDtypeStruct((B_TOTAL, D), jnp.float32),
        scratch_types=[
            pltpu.VMEM((B_PER_W,), jnp.int32),
            [pltpu.VMEM((CHUNK, D), jnp.float32)] * NBUF,
            [pltpu.SemaphoreType.DMA] * NBUF,
            [pltpu.SemaphoreType.DMA] * NBUF,
        ],
    )
    def k(idx_hbm, table_hbm, out_hbm, idx_v, bufs, gsems, wsems):
        wid = lax.axis_index("s") * NC + lax.axis_index("c")
        base = wid * B_PER_W
        pltpu.sync_copy(
            idx_hbm.at[wid // W_PER_ROW, pl.ds((wid % W_PER_ROW) * B_PER_W, B_PER_W)],
            idx_v,
        )

        def gather_start(c, b):
            pltpu.async_copy(
                table_hbm.at[idx_v.at[pl.ds(c * CHUNK, CHUNK)]], bufs[b], gsems[b]
            )

        def gather_wait(b):
            pltpu.make_async_copy(
                table_hbm.at[idx_v.at[pl.ds(0, CHUNK)]], bufs[b], gsems[b]
            ).wait()

        def write_start(c, b):
            pltpu.async_copy(
                bufs[b], out_hbm.at[pl.ds(base + c * CHUNK, CHUNK)], wsems[b]
            )

        def write_wait(b):
            pltpu.make_async_copy(
                bufs[b], out_hbm.at[pl.ds(base, CHUNK)], wsems[b]
            ).wait()

        for b in range(NBUF):
            gather_start(b, b)

        @pl.loop(0, N_CHUNKS - NBUF, step=NBUF)
        def group(g):
            for b in range(NBUF):
                gather_wait(b)
                write_start(g + b, b)
                write_wait(b)
                gather_start(g + NBUF + b, b)

        for b in range(NBUF):
            gather_wait(b)
            write_start(N_CHUNKS - NBUF + b, b)
        for b in range(NBUF):
            write_wait(b)

    return k(t_indices, pe)


@jax.jit
def kernel(t_indices, pe):
    out = _sc_gather(t_indices.astype(jnp.int32), pe)
    return out.reshape(B, T, D)

# --- scband reference (transcript-rebuilt; emitter-appended) ---
"""Pipeline reference for scband-positional-encoding-23252952940588 (READ-ONLY COPY).

The authoritative reference and input builder live on the scoring server;
editing this copy changes nothing except your own understanding.
"""

import jax, jax.numpy as jnp
import numpy as np


def setup_inputs(seed: int = 0) -> dict:
    key = jax.random.key(seed)
    k1, k2 = jax.random.split(key)
    t_indices = jax.random.randint(k1, (4, 8192), 0, 8192, dtype=jnp.int64 if jax.config.jax_enable_x64 else jnp.int32)
    pe = jax.random.normal(k2, (8192, 1024), dtype=jnp.float32)
    return {"t_indices": t_indices, "pe": pe}


def reference(t_indices, pe):
    # Learnable positional embedding lookup: (B, T) -> (B, T, D)
    return jnp.take(pe, t_indices, axis=0)

if __name__ == "__main__":
    import jax
    _d = setup_inputs()
    print(jax.jit(kernel)(*tuple(_d.values())))

</pallas_src>

<mosaic_0001>
#map = affine_map<(d0, d1) -> (0, 0)>
module attributes {stable_mosaic.version = 14 : i64} {
  func.func @k(%arg0: i32, %arg1: i32, %arg2: memref<4x8192xi32, #tpu.memory_space<hbm>>, %arg3: memref<8192x1024xf32, #tpu.memory_space<hbm>>, %arg4: memref<32768x1024xf32, #tpu.memory_space<hbm>>, %arg5: memref<1024xi32, #tpu.memory_space<vmem>>, %arg6: memref<8x1024xf32, #tpu.memory_space<vmem>>, %arg7: memref<8x1024xf32, #tpu.memory_space<vmem>>, %arg8: memref<8x1024xf32, #tpu.memory_space<vmem>>, %arg9: memref<8x1024xf32, #tpu.memory_space<vmem>>, %arg10: memref<8x1024xf32, #tpu.memory_space<vmem>>, %arg11: memref<8x1024xf32, #tpu.memory_space<vmem>>, %arg12: memref<8x1024xf32, #tpu.memory_space<vmem>>, %arg13: memref<8x1024xf32, #tpu.memory_space<vmem>>, %arg14: memref<!tpu.dma_semaphore, #tpu.memory_space<semaphore_mem>>, %arg15: memref<!tpu.dma_semaphore, #tpu.memory_space<semaphore_mem>>, %arg16: memref<!tpu.dma_semaphore, #tpu.memory_space<semaphore_mem>>, %arg17: memref<!tpu.dma_semaphore, #tpu.memory_space<semaphore_mem>>, %arg18: memref<!tpu.dma_semaphore, #tpu.memory_space<semaphore_mem>>, %arg19: memref<!tpu.dma_semaphore, #tpu.memory_space<semaphore_mem>>, %arg20: memref<!tpu.dma_semaphore, #tpu.memory_space<semaphore_mem>>, %arg21: memref<!tpu.dma_semaphore, #tpu.memory_space<semaphore_mem>>, %arg22: memref<!tpu.dma_semaphore, #tpu.memory_space<semaphore_mem>>, %arg23: memref<!tpu.dma_semaphore, #tpu.memory_space<semaphore_mem>>, %arg24: memref<!tpu.dma_semaphore, #tpu.memory_space<semaphore_mem>>, %arg25: memref<!tpu.dma_semaphore, #tpu.memory_space<semaphore_mem>>, %arg26: memref<!tpu.dma_semaphore, #tpu.memory_space<semaphore_mem>>, %arg27: memref<!tpu.dma_semaphore, #tpu.memory_space<semaphore_mem>>, %arg28: memref<!tpu.dma_semaphore, #tpu.memory_space<semaphore_mem>>, %arg29: memref<!tpu.dma_semaphore, #tpu.memory_space<semaphore_mem>>) attributes {dimension_semantics = [#tpu.dimension_semantics<core_parallel>, #tpu.dimension_semantics<subcore_parallel>], iteration_bounds = array<i64: 2, 16>, scalar_prefetch = 0 : i64, scratch_operands = 25 : i64, tpu.core_type = #tpu.core_type<sc_vector_subcore>, window_params = [{transform_indices = #map}, {transform_indices = #map}, {transform_indices = #map}]} {
    %mul3A = arith.constant 2 : i32
    %mul3A_0 = arith.muli %arg1, %mul3A : i32
    %add3A = arith.addi %mul3A_0, %arg0 : i32
    %mul3A_1 = arith.constant 1024 : i32
    %mul3A_2 = arith.muli %add3A, %mul3A_1 : i32
    %jit3A = arith.constant 8 : i32
    %div3A = arith.divsi %add3A, %jit3A : i32
    %sign3A = arith.constant 0 : i32
    %sign3A_3 = arith.cmpi sgt, %add3A, %sign3A : i32
    %sign3A_4 = arith.extui %sign3A_3 : i1 to i32
    %sign3A_5 = arith.constant 0 : i32
    %sign3A_6 = arith.cmpi slt, %add3A, %sign3A_5 : i32
    %sign3A_7 = arith.extui %sign3A_6 : i1 to i32
    %sign3A_8 = arith.subi %sign3A_4, %sign3A_7 : i32
    %sign3A_9 = arith.constant 0 : i32
    %sign3A_10 = arith.cmpi sgt, %jit3A, %sign3A_9 : i32
    %sign3A_11 = arith.extui %sign3A_10 : i1 to i32
    %sign3A_12 = arith.constant 0 : i32
    %sign3A_13 = arith.cmpi slt, %jit3A, %sign3A_12 : i32
    %sign3A_14 = arith.extui %sign3A_13 : i1 to i32
    %sign3A_15 = arith.subi %sign3A_11, %sign3A_14 : i32
    %ne3A = arith.cmpi ne, %sign3A_8, %sign3A_15 : i32
    %rem3A = arith.remsi %add3A, %jit3A : i32
    %ne3A_16 = arith.constant 0 : i32
    %ne3A_17 = arith.cmpi ne, %rem3A, %ne3A_16 : i32
    %and3A = arith.andi %ne3A, %ne3A_17 : i1
    %sub3A = arith.constant 1 : i32
    %sub3A_18 = arith.subi %div3A, %sub3A : i32
    %select_n3A = arith.select %and3A, %sub3A_18, %div3A : i32
    %jit3A_19 = arith.constant 8 : i32
    %eq3A = arith.constant 0 : i32
    %eq3A_20 = arith.cmpi eq, %jit3A_19, %eq3A : i32
    %jit3A_21 = arith.constant 1 : i32
    %select_n3A_22 = arith.select %eq3A_20, %jit3A_21, %jit3A_19 : i32
    %rem3A_23 = arith.remsi %add3A, %select_n3A_22 : i32
    %ne3A_24 = arith.constant 0 : i32
    %ne3A_25 = arith.cmpi ne, %rem3A_23, %ne3A_24 : i32
    %lt3A = arith.constant 0 : i32
    %lt3A_26 = arith.cmpi slt, %rem3A_23, %lt3A : i32
    %lt3A_27 = arith.constant 0 : i32
    %lt3A_28 = arith.cmpi slt, %select_n3A_22, %lt3A_27 : i32
    %ne3A_29 = arith.xori %lt3A_26, %lt3A_28 : i1
    %and3A_30 = arith.andi %ne3A_29, %ne3A_25 : i1
    %add3A_31 = arith.addi %rem3A_23, %select_n3A_22 : i32
    %select_n3A_32 = arith.select %and3A_30, %add3A_31, %rem3A_23 : i32
    %mul3A_33 = arith.constant 1024 : i32
    %mul3A_34 = arith.muli %select_n3A_32, %mul3A_33 : i32
    "tpu.region"() ({
      %run_scoped3A = tpu.sem_alloc : memref<!tpu.dma_semaphore, #tpu.memory_space<semaphore_mem>>
      %dma_start3A_197 = tpu.memref_slice %arg2[%select_n3A, %mul3A_34] : memref<4x8192xi32, #tpu.memory_space<hbm>> -> memref<1x1024xi32, #tpu.memory_space<hbm>>
      %dma_start3A_198 = tpu.memref_squeeze %dma_start3A_197 : memref<1x1024xi32, #tpu.memory_space<hbm>> -> memref<1024xi32, #tpu.memory_space<hbm>>
      %dma_start3A_199 = tpu.memref_slice %arg2[%select_n3A, %mul3A_34] : memref<4x8192xi32, #tpu.memory_space<hbm>> -> memref<1x1024xi32, #tpu.memory_space<hbm>>
      %dma_start3A_200 = tpu.memref_squeeze %dma_start3A_199 : memref<1x1024xi32, #tpu.memory_space<hbm>> -> memref<1024xi32, #tpu.memory_space<hbm>>
      tpu.enqueue_dma source(%dma_start3A_200 : memref<1024xi32, #tpu.memory_space<hbm>>) target(%arg5 : memref<1024xi32, #tpu.memory_space<vmem>>) target_semaphore(%run_scoped3A : memref<!tpu.dma_semaphore, #tpu.memory_space<semaphore_mem>>)
      %dma_wait3A_201 = tpu.memref_slice %arg2[%select_n3A, %mul3A_34] : memref<4x8192xi32, #tpu.memory_space<hbm>> -> memref<1x1024xi32, #tpu.memory_space<hbm>>
      %dma_wait3A_202 = tpu.memref_squeeze %dma_wait3A_201 : memref<1x1024xi32, #tpu.memory_space<hbm>> -> memref<1024xi32, #tpu.memory_space<hbm>>
      %dma_wait3A_203 = tpu.memref_slice %arg2[%select_n3A, %mul3A_34] : memref<4x8192xi32, #tpu.memory_space<hbm>> -> memref<1x1024xi32, #tpu.memory_space<hbm>>
      %dma_wait3A_204 = tpu.memref_squeeze %dma_wait3A_203 : memref<1x1024xi32, #tpu.memory_space<hbm>> -> memref<1024xi32, #tpu.memory_space<hbm>>
      tpu.wait_dma2 semaphore(%run_scoped3A : memref<!tpu.dma_semaphore, #tpu.memory_space<semaphore_mem>>) src(%dma_wait3A_204 : memref<1024xi32, #tpu.memory_space<hbm>>) dst(%arg5 : memref<1024xi32, #tpu.memory_space<vmem>>)
      tpu.yield
    }) : () -> ()
    %dma_start3A = arith.constant 0 : i32
    %dma_start3A_35 = tpu.memref_slice %arg5[%dma_start3A] : memref<1024xi32, #tpu.memory_space<vmem>> -> memref<8xi32, #tpu.memory_space<vmem>>
    %dma_start3A_36 = arith.constant 0 : i32
    %dma_start3A_37 = arith.constant 0 : i32
    %dma_start3A_38 = tpu.memref_slice %arg3[%dma_start3A_36, %dma_start3A_37] : memref<8192x1024xf32, #tpu.memory_space<hbm>> -> memref<8192x1024xf32, #tpu.memory_space<hbm>>
    tpu.enqueue_indirect_dma source(%dma_start3A_38 : memref<8192x1024xf32, #tpu.memory_space<hbm>>) target(%arg6 : memref<8x1024xf32, #tpu.memory_space<vmem>>) offsets(%dma_start3A_35 : memref<8xi32, #tpu.memory_space<vmem>>) semaphore(%arg14 : memref<!tpu.dma_semaphore, #tpu.memory_space<semaphore_mem>>)
    %dma_start3A_39 = arith.constant 8 : i32
    %dma_start3A_40 = tpu.memref_slice %arg5[%dma_start3A_39] : memref<1024xi32, #tpu.memory_space<vmem>> -> memref<8xi32, #tpu.memory_space<vmem>>
    %dma_start3A_41 = arith.constant 0 : i32
    %dma_start3A_42 = arith.constant 0 : i32
    %dma_start3A_43 = tpu.memref_slice %arg3[%dma_start3A_41, %dma_start3A_42] : memref<8192x1024xf32, #tpu.memory_space<hbm>> -> memref<8192x1024xf32, #tpu.memory_space<hbm>>
    tpu.enqueue_indirect_dma source(%dma_start3A_43 : memref<8192x1024xf32, #tpu.memory_space<hbm>>) target(%arg7 : memref<8x1024xf32, #tpu.memory_space<vmem>>) offsets(%dma_start3A_40 : memref<8xi32, #tpu.memory_space<vmem>>) semaphore(%arg15 : memref<!tpu.dma_semaphore, #tpu.memory_space<semaphore_mem>>)
    %dma_start3A_44 = arith.constant 16 : i32
    %dma_start3A_45 = tpu.memref_slice %arg5[%dma_start3A_44] : memref<1024xi32, #tpu.memory_space<vmem>> -> memref<8xi32, #tpu.memory_space<vmem>>
    %dma_start3A_46 = arith.constant 0 : i32
    %dma_start3A_47 = arith.constant 0 : i32
    %dma_start3A_48 = tpu.memref_slice %arg3[%dma_start3A_46, %dma_start3A_47] : memref<8192x1024xf32, #tpu.memory_space<hbm>> -> memref<8192x1024xf32, #tpu.memory_space<hbm>>
    tpu.enqueue_indirect_dma source(%dma_start3A_48 : memref<8192x1024xf32, #tpu.memory_space<hbm>>) target(%arg8 : memref<8x1024xf32, #tpu.memory_space<vmem>>) offsets(%dma_start3A_45 : memref<8xi32, #tpu.memory_space<vmem>>) semaphore(%arg16 : memref<!tpu.dma_semaphore, #tpu.memory_space<semaphore_mem>>)
    %dma_start3A_49 = arith.constant 24 : i32
    %dma_start3A_50 = tpu.memref_slice %arg5[%dma_start3A_49] : memref<1024xi32, #tpu.memory_space<vmem>> -> memref<8xi32, #tpu.memory_space<vmem>>
    %dma_start3A_51 = arith.constant 0 : i32
    %dma_start3A_52 = arith.constant 0 : i32
    %dma_start3A_53 = tpu.memref_slice %arg3[%dma_start3A_51, %dma_start3A_52] : memref<8192x1024xf32, #tpu.memory_space<hbm>> -> memref<8192x1024xf32, #tpu.memory_space<hbm>>
    tpu.enqueue_indirect_dma source(%dma_start3A_53 : memref<8192x1024xf32, #tpu.memory_space<hbm>>) target(%arg9 : memref<8x1024xf32, #tpu.memory_space<vmem>>) offsets(%dma_start3A_50 : memref<8xi32, #tpu.memory_space<vmem>>) semaphore(%arg17 : memref<!tpu.dma_semaphore, #tpu.memory_space<semaphore_mem>>)
    %dma_start3A_54 = arith.constant 32 : i32
    %dma_start3A_55 = tpu.memref_slice %arg5[%dma_start3A_54] : memref<1024xi32, #tpu.memory_space<vmem>> -> memref<8xi32, #tpu.memory_space<vmem>>
    %dma_start3A_56 = arith.constant 0 : i32
    %dma_start3A_57 = arith.constant 0 : i32
    %dma_start3A_58 = tpu.memref_slice %arg3[%dma_start3A_56, %dma_start3A_57] : memref<8192x1024xf32, #tpu.memory_space<hbm>> -> memref<8192x1024xf32, #tpu.memory_space<hbm>>
    tpu.enqueue_indirect_dma source(%dma_start3A_58 : memref<8192x1024xf32, #tpu.memory_space<hbm>>) target(%arg10 : memref<8x1024xf32, #tpu.memory_space<vmem>>) offsets(%dma_start3A_55 : memref<8xi32, #tpu.memory_space<vmem>>) semaphore(%arg18 : memref<!tpu.dma_semaphore, #tpu.memory_space<semaphore_mem>>)
    %dma_start3A_59 = arith.constant 40 : i32
    %dma_start3A_60 = tpu.memref_slice %arg5[%dma_start3A_59] : memref<1024xi32, #tpu.memory_space<vmem>> -> memref<8xi32, #tpu.memory_space<vmem>>
    %dma_start3A_61 = arith.constant 0 : i32
    %dma_start3A_62 = arith.constant 0 : i32
    %dma_start3A_63 = tpu.memref_slice %arg3[%dma_start3A_61, %dma_start3A_62] : memref<8192x1024xf32, #tpu.memory_space<hbm>> -> memref<8192x1024xf32, #tpu.memory_space<hbm>>
    tpu.enqueue_indirect_dma source(%dma_start3A_63 : memref<8192x1024xf32, #tpu.memory_space<hbm>>) target(%arg11 : memref<8x1024xf32, #tpu.memory_space<vmem>>) offsets(%dma_start3A_60 : memref<8xi32, #tpu.memory_space<vmem>>) semaphore(%arg19 : memref<!tpu.dma_semaphore, #tpu.memory_space<semaphore_mem>>)
    %dma_start3A_64 = arith.constant 48 : i32
    %dma_start3A_65 = tpu.memref_slice %arg5[%dma_start3A_64] : memref<1024xi32, #tpu.memory_space<vmem>> -> memref<8xi32, #tpu.memory_space<vmem>>
    %dma_start3A_66 = arith.constant 0 : i32
    %dma_start3A_67 = arith.constant 0 : i32
    %dma_start3A_68 = tpu.memref_slice %arg3[%dma_start3A_66, %dma_start3A_67] : memref<8192x1024xf32, #tpu.memory_space<hbm>> -> memref<8192x1024xf32, #tpu.memory_space<hbm>>
    tpu.enqueue_indirect_dma source(%dma_start3A_68 : memref<8192x1024xf32, #tpu.memory_space<hbm>>) target(%arg12 : memref<8x1024xf32, #tpu.memory_space<vmem>>) offsets(%dma_start3A_65 : memref<8xi32, #tpu.memory_space<vmem>>) semaphore(%arg20 : memref<!tpu.dma_semaphore, #tpu.memory_space<semaphore_mem>>)
    %dma_start3A_69 = arith.constant 56 : i32
    %dma_start3A_70 = tpu.memref_slice %arg5[%dma_start3A_69] : memref<1024xi32, #tpu.memory_space<vmem>> -> memref<8xi32, #tpu.memory_space<vmem>>
    %dma_start3A_71 = arith.constant 0 : i32
    %dma_start3A_72 = arith.constant 0 : i32
    %dma_start3A_73 = tpu.memref_slice %arg3[%dma_start3A_71, %dma_start3A_72] : memref<8192x1024xf32, #tpu.memory_space<hbm>> -> memref<8192x1024xf32, #tpu.memory_space<hbm>>
    tpu.enqueue_indirect_dma source(%dma_start3A_73 : memref<8192x1024xf32, #tpu.memory_space<hbm>>) target(%arg13 : memref<8x1024xf32, #tpu.memory_space<vmem>>) offsets(%dma_start3A_70 : memref<8xi32, #tpu.memory_space<vmem>>) semaphore(%arg21 : memref<!tpu.dma_semaphore, #tpu.memory_space<semaphore_mem>>)
    %scan3A = arith.constant 0 : i32
    %scan3A_74 = arith.constant 15 : i32
    %scan3A_75 = arith.addi %scan3A, %scan3A_74 : i32
    %scan3A_76 = arith.constant 1 : i32
    scf.for %scan3A_197 = %scan3A to %scan3A_75 step %scan3A_76  : i32 {
      %mul3A_198 = arith.constant 8 : i32
      %mul3A_199 = arith.muli %scan3A_197, %mul3A_198 : i32
      %add3A_200 = arith.constant 0 : i32
      %add3A_201 = arith.addi %add3A_200, %mul3A_199 : i32
      %dma_wait3A_202 = arith.constant 0 : i32
      %dma_wait3A_203 = tpu.memref_slice %arg5[%dma_wait3A_202] : memref<1024xi32, #tpu.memory_space<vmem>> -> memref<8xi32, #tpu.memory_space<vmem>>
      %dma_wait3A_204 = arith.constant 0 : i32
      %dma_wait3A_205 = arith.constant 0 : i32
      %dma_wait3A_206 = tpu.memref_slice %arg3[%dma_wait3A_204, %dma_wait3A_205] : memref<8192x1024xf32, #tpu.memory_space<hbm>> -> memref<8192x1024xf32, #tpu.memory_space<hbm>>
      tpu.wait_indirect_dma semaphore(%arg14 : memref<!tpu.dma_semaphore, #tpu.memory_space<semaphore_mem>>) src(%dma_wait3A_206 : memref<8192x1024xf32, #tpu.memory_space<hbm>>) dst(%arg6 : memref<8x1024xf32, #tpu.memory_space<vmem>>)
      %add3A_207 = arith.constant 0 : i32
      %add3A_208 = arith.addi %add3A_201, %add3A_207 : i32
      %mul3A_209 = arith.constant 8 : i32
      %mul3A_210 = arith.muli %add3A_208, %mul3A_209 : i32
      %add3A_211 = arith.addi %mul3A_2, %mul3A_210 : i32
      %dma_start3A_212 = arith.constant 0 : i32
      %dma_start3A_213 = tpu.memref_slice %arg4[%add3A_211, %dma_start3A_212] : memref<32768x1024xf32, #tpu.memory_space<hbm>> -> memref<8x1024xf32, #tpu.memory_space<hbm>>
      %dma_start3A_214 = arith.constant 0 : i32
      %dma_start3A_215 = tpu.memref_slice %arg4[%add3A_211, %dma_start3A_214] : memref<32768x1024xf32, #tpu.memory_space<hbm>> -> memref<8x1024xf32, #tpu.memory_space<hbm>>
      tpu.enqueue_dma source(%arg6 : memref<8x1024xf32, #tpu.memory_space<vmem>>) target(%dma_start3A_215 : memref<8x1024xf32, #tpu.memory_space<hbm>>) target_semaphore(%arg22 : memref<!tpu.dma_semaphore, #tpu.memory_space<semaphore_mem>>)
      %dma_wait3A_216 = arith.constant 0 : i32
      %dma_wait3A_217 = tpu.memref_slice %arg4[%mul3A_2, %dma_wait3A_216] : memref<32768x1024xf32, #tpu.memory_space<hbm>> -> memref<8x1024xf32, #tpu.memory_space<hbm>>
      %dma_wait3A_218 = arith.constant 0 : i32
      %dma_wait3A_219 = tpu.memref_slice %arg4[%mul3A_2, %dma_wait3A_218] : memref<32768x1024xf32, #tpu.memory_space<hbm>> -> memref<8x1024xf32, #tpu.memory_space<hbm>>
      tpu.wait_dma2 semaphore(%arg22 : memref<!tpu.dma_semaphore, #tpu.memory_space<semaphore_mem>>) src(%arg6 : memref<8x1024xf32, #tpu.memory_space<vmem>>) dst(%dma_wait3A_219 : memref<8x1024xf32, #tpu.memory_space<hbm>>)
      %add3A_220 = arith.constant 8 : i32
      %add3A_221 = arith.addi %add3A_201, %add3A_220 : i32
      %add3A_222 = arith.constant 0 : i32
      %add3A_223 = arith.addi %add3A_221, %add3A_222 : i32
      %mul3A_224 = arith.constant 8 : i32
      %mul3A_225 = arith.muli %add3A_223, %mul3A_224 : i32
      %dma_start3A_226 = tpu.memref_slice %arg5[%mul3A_225] : memref<1024xi32, #tpu.memory_space<vmem>> -> memref<8xi32, #tpu.memory_space<vmem>>
      %dma_start3A_227 = arith.constant 0 : i32
      %dma_start3A_228 = arith.constant 0 : i32
      %dma_start3A_229 = tpu.memref_slice %arg3[%dma_start3A_227, %dma_start3A_228] : memref<8192x1024xf32, #tpu.memory_space<hbm>> -> memref<8192x1024xf32, #tpu.memory_space<hbm>>
      tpu.enqueue_indirect_dma source(%dma_start3A_229 : memref<8192x1024xf32, #tpu.memory_space<hbm>>) target(%arg6 : memref<8x1024xf32, #tpu.memory_space<vmem>>) offsets(%dma_start3A_226 : memref<8xi32, #tpu.memory_space<vmem>>) semaphore(%arg14 : memref<!tpu.dma_semaphore, #tpu.memory_space<semaphore_mem>>)
      %dma_wait3A_230 = arith.constant 0 : i32
      %dma_wait3A_231 = tpu.memref_slice %arg5[%dma_wait3A_230] : memref<1024xi32, #tpu.memory_space<vmem>> -> memref<8xi32, #tpu.memory_space<vmem>>
      %dma_wait3A_232 = arith.constant 0 : i32
      %dma_wait3A_233 = arith.constant 0 : i32
      %dma_wait3A_234 = tpu.memref_slice %arg3[%dma_wait3A_232, %dma_wait3A_233] : memref<8192x1024xf32, #tpu.memory_space<hbm>> -> memref<8192x1024xf32, #tpu.memory_space<hbm>>
      tpu.wait_indirect_dma semaphore(%arg15 : memref<!tpu.dma_semaphore, #tpu.memory_space<semaphore_mem>>) src(%dma_wait3A_234 : memref<8192x1024xf32, #tpu.memory_space<hbm>>) dst(%arg7 : memref<8x1024xf32, #tpu.memory_space<vmem>>)
      %add3A_235 = arith.constant 1 : i32
      %add3A_236 = arith.addi %add3A_201, %add3A_235 : i32
      %mul3A_237 = arith.constant 8 : i32
      %mul3A_238 = arith.muli %add3A_236, %mul3A_237 : i32
      %add3A_239 = arith.addi %mul3A_2, %mul3A_238 : i32
      %dma_start3A_240 = arith.constant 0 : i32
      %dma_start3A_241 = tpu.memref_slice %arg4[%add3A_239, %dma_start3A_240] : memref<32768x1024xf32, #tpu.memory_space<hbm>> -> memref<8x1024xf32, #tpu.memory_space<hbm>>
      %dma_start3A_242 = arith.constant 0 : i32
      %dma_start3A_243 = tpu.memref_slice %arg4[%add3A_239, %dma_start3A_242] : memref<32768x1024xf32, #tpu.memory_space<hbm>> -> memref<8x1024xf32, #tpu.memory_space<hbm>>
      tpu.enqueue_dma source(%arg7 : memref<8x1024xf32, #tpu.memory_space<vmem>>) target(%dma_start3A_243 : memref<8x1024xf32, #tpu.memory_space<hbm>>) target_semaphore(%arg23 : memref<!tpu.dma_semaphore, #tpu.memory_space<semaphore_mem>>)
      %dma_wait3A_244 = arith.constant 0 : i32
      %dma_wait3A_245 = tpu.memref_slice %arg4[%mul3A_2, %dma_wait3A_244] : memref<32768x1024xf32, #tpu.memory_space<hbm>> -> memref<8x1024xf32, #tpu.memory_space<hbm>>
      %dma_wait3A_246 = arith.constant 0 : i32
      %dma_wait3A_247 = tpu.memref_slice %arg4[%mul3A_2, %dma_wait3A_246] : memref<32768x1024xf32, #tpu.memory_space<hbm>> -> memref<8x1024xf32, #tpu.memory_space<hbm>>
      tpu.wait_dma2 semaphore(%arg23 : memref<!tpu.dma_semaphore, #tpu.memory_space<semaphore_mem>>) src(%arg7 : memref<8x1024xf32, #tpu.memory_space<vmem>>) dst(%dma_wait3A_247 : memref<8x1024xf32, #tpu.memory_space<hbm>>)
      %add3A_248 = arith.constant 8 : i32
      %add3A_249 = arith.addi %add3A_201, %add3A_248 : i32
      %add3A_250 = arith.constant 1 : i32
      %add3A_251 = arith.addi %add3A_249, %add3A_250 : i32
      %mul3A_252 = arith.constant 8 : i32
      %mul3A_253 = arith.muli %add3A_251, %mul3A_252 : i32
      %dma_start3A_254 = tpu.memref_slice %arg5[%mul3A_253] : memref<1024xi32, #tpu.memory_space<vmem>> -> memref<8xi32, #tpu.memory_space<vmem>>
      %dma_start3A_255 = arith.constant 0 : i32
      %dma_start3A_256 = arith.constant 0 : i32
      %dma_start3A_257 = tpu.memref_slice %arg3[%dma_start3A_255, %dma_start3A_256] : memref<8192x1024xf32, #tpu.memory_space<hbm>> -> memref<8192x1024xf32, #tpu.memory_space<hbm>>
      tpu.enqueue_indirect_dma source(%dma_start3A_257 : memref<8192x1024xf32, #tpu.memory_space<hbm>>) target(%arg7 : memref<8x1024xf32, #tpu.memory_space<vmem>>) offsets(%dma_start3A_254 : memref<8xi32, #tpu.memory_space<vmem>>) semaphore(%arg15 : memref<!tpu.dma_semaphore, #tpu.memory_space<semaphore_mem>>)
      %dma_wait3A_258 = arith.constant 0 : i32
      %dma_wait3A_259 = tpu.memref_slice %arg5[%dma_wait3A_258] : memref<1024xi32, #tpu.memory_space<vmem>> -> memref<8xi32, #tpu.memory_space<vmem>>
      %dma_wait3A_260 = arith.constant 0 : i32
      %dma_wait3A_261 = arith.constant 0 : i32
      %dma_wait3A_262 = tpu.memref_slice %arg3[%dma_wait3A_260, %dma_wait3A_261] : memref<8192x1024xf32, #tpu.memory_space<hbm>> -> memref<8192x1024xf32, #tpu.memory_space<hbm>>
      tpu.wait_indirect_dma semaphore(%arg16 : memref<!tpu.dma_semaphore, #tpu.memory_space<semaphore_mem>>) src(%dma_wait3A_262 : memref<8192x1024xf32, #tpu.memory_space<hbm>>) dst(%arg8 : memref<8x1024xf32, #tpu.memory_space<vmem>>)
      %add3A_263 = arith.constant 2 : i32
      %add3A_264 = arith.addi %add3A_201, %add3A_263 : i32
      %mul3A_265 = arith.constant 8 : i32
      %mul3A_266 = arith.muli %add3A_264, %mul3A_265 : i32
      %add3A_267 = arith.addi %mul3A_2, %mul3A_266 : i32
      %dma_start3A_268 = arith.constant 0 : i32
      %dma_start3A_269 = tpu.memref_slice %arg4[%add3A_267, %dma_start3A_268] : memref<32768x1024xf32, #tpu.memory_space<hbm>> -> memref<8x1024xf32, #tpu.memory_space<hbm>>
      %dma_start3A_270 = arith.constant 0 : i32
      %dma_start3A_271 = tpu.memref_slice %arg4[%add3A_267, %dma_start3A_270] : memref<32768x1024xf32, #tpu.memory_space<hbm>> -> memref<8x1024xf32, #tpu.memory_space<hbm>>
      tpu.enqueue_dma source(%arg8 : memref<8x1024xf32, #tpu.memory_space<vmem>>) target(%dma_start3A_271 : memref<8x1024xf32, #tpu.memory_space<hbm>>) target_semaphore(%arg24 : memref<!tpu.dma_semaphore, #tpu.memory_space<semaphore_mem>>)
      %dma_wait3A_272 = arith.constant 0 : i32
      %dma_wait3A_273 = tpu.memref_slice %arg4[%mul3A_2, %dma_wait3A_272] : memref<32768x1024xf32, #tpu.memory_space<hbm>> -> memref<8x1024xf32, #tpu.memory_space<hbm>>
      %dma_wait3A_274 = arith.constant 0 : i32
      %dma_wait3A_275 = tpu.memref_slice %arg4[%mul3A_2, %dma_wait3A_274] : memref<32768x1024xf32, #tpu.memory_space<hbm>> -> memref<8x1024xf32, #tpu.memory_space<hbm>>
      tpu.wait_dma2 semaphore(%arg24 : memref<!tpu.dma_semaphore, #tpu.memory_space<semaphore_mem>>) src(%arg8 : memref<8x1024xf32, #tpu.memory_space<vmem>>) dst(%dma_wait3A_275 : memref<8x1024xf32, #tpu.memory_space<hbm>>)
      %add3A_276 = arith.constant 8 : i32
      %add3A_277 = arith.addi %add3A_201, %add3A_276 : i32
      %add3A_278 = arith.constant 2 : i32
      %add3A_279 = arith.addi %add3A_277, %add3A_278 : i32
      %mul3A_280 = arith.constant 8 : i32
      %mul3A_281 = arith.muli %add3A_279, %mul3A_280 : i32
      %dma_start3A_282 = tpu.memref_slice %arg5[%mul3A_281] : memref<1024xi32, #tpu.memory_space<vmem>> -> memref<8xi32, #tpu.memory_space<vmem>>
      %dma_start3A_283 = arith.constant 0 : i32
      %dma_start3A_284 = arith.constant 0 : i32
      %dma_start3A_285 = tpu.memref_slice %arg3[%dma_start3A_283, %dma_start3A_284] : memref<8192x1024xf32, #tpu.memory_space<hbm>> -> memref<8192x1024xf32, #tpu.memory_space<hbm>>
      tpu.enqueue_indirect_dma source(%dma_start3A_285 : memref<8192x1024xf32, #tpu.memory_space<hbm>>) target(%arg8 : memref<8x1024xf32, #tpu.memory_space<vmem>>) offsets(%dma_start3A_282 : memref<8xi32, #tpu.memory_space<vmem>>) semaphore(%arg16 : memref<!tpu.dma_semaphore, #tpu.memory_space<semaphore_mem>>)
      %dma_wait3A_286 = arith.constant 0 : i32
      %dma_wait3A_287 = tpu.memref_slice %arg5[%dma_wait3A_286] : memref<1024xi32, #tpu.memory_space<vmem>> -> memref<8xi32, #tpu.memory_space<vmem>>
      %dma_wait3A_288 = arith.constant 0 : i32
      %dma_wait3A_289 = arith.constant 0 : i32
      %dma_wait3A_290 = tpu.memref_slice %arg3[%dma_wait3A_288, %dma_wait3A_289] : memref<8192x1024xf32, #tpu.memory_space<hbm>> -> memref<8192x1024xf32, #tpu.memory_space<hbm>>
      tpu.wait_indirect_dma semaphore(%arg17 : memref<!tpu.dma_semaphore, #tpu.memory_space<semaphore_mem>>) src(%dma_wait3A_290 : memref<8192x1024xf32, #tpu.memory_space<hbm>>) dst(%arg9 : memref<8x1024xf32, #tpu.memory_space<vmem>>)
      %add3A_291 = arith.constant 3 : i32
      %add3A_292 = arith.addi %add3A_201, %add3A_291 : i32
      %mul3A_293 = arith.constant 8 : i32
      %mul3A_294 = arith.muli %add3A_292, %mul3A_293 : i32
      %add3A_295 = arith.addi %mul3A_2, %mul3A_294 : i32
      %dma_start3A_296 = arith.constant 0 : i32
      %dma_start3A_297 = tpu.memref_slice %arg4[%add3A_295, %dma_start3A_296] : memref<32768x1024xf32, #tpu.memory_space<hbm>> -> memref<8x1024xf32, #tpu.memory_space<hbm>>
      %dma_start3A_298 = arith.constant 0 : i32
      %dma_start3A_299 = tpu.memref_slice %arg4[%add3A_295, %dma_start3A_298] : memref<32768x1024xf32, #tpu.memory_space<hbm>> -> memref<8x1024xf32, #tpu.memory_space<hbm>>
      tpu.enqueue_dma source(%arg9 : memref<8x1024xf32, #tpu.memory_space<vmem>>) target(%dma_start3A_299 : memref<8x1024xf32, #tpu.memory_space<hbm>>) target_semaphore(%arg25 : memref<!tpu.dma_semaphore, #tpu.memory_space<semaphore_mem>>)
      %dma_wait3A_300 = arith.constant 0 : i32
      %dma_wait3A_301 = tpu.memref_slice %arg4[%mul3A_2, %dma_wait3A_300] : memref<32768x1024xf32, #tpu.memory_space<hbm>> -> memref<8x1024xf32, #tpu.memory_space<hbm>>
      %dma_wait3A_302 = arith.constant 0 : i32
      %dma_wait3A_303 = tpu.memref_slice %arg4[%mul3A_2, %dma_wait3A_302] : memref<32768x1024xf32, #tpu.memory_space<hbm>> -> memref<8x1024xf32, #tpu.memory_space<hbm>>
      tpu.wait_dma2 semaphore(%arg25 : memref<!tpu.dma_semaphore, #tpu.memory_space<semaphore_mem>>) src(%arg9 : memref<8x1024xf32, #tpu.memory_space<vmem>>) dst(%dma_wait3A_303 : memref<8x1024xf32, #tpu.memory_space<hbm>>)
      %add3A_304 = arith.constant 8 : i32
      %add3A_305 = arith.addi %add3A_201, %add3A_304 : i32
      %add3A_306 = arith.constant 3 : i32
      %add3A_307 = arith.addi %add3A_305, %add3A_306 : i32
      %mul3A_308 = arith.constant 8 : i32
      %mul3A_309 = arith.muli %add3A_307, %mul3A_308 : i32
      %dma_start3A_310 = tpu.memref_slice %arg5[%mul3A_309] : memref<1024xi32, #tpu.memory_space<vmem>> -> memref<8xi32, #tpu.memory_space<vmem>>
      %dma_start3A_311 = arith.constant 0 : i32
      %dma_start3A_312 = arith.constant 0 : i32
      %dma_start3A_313 = tpu.memref_slice %arg3[%dma_start3A_311, %dma_start3A_312] : memref<8192x1024xf32, #tpu.memory_space<hbm>> -> memref<8192x1024xf32, #tpu.memory_space<hbm>>
      tpu.enqueue_indirect_dma source(%dma_start3A_313 : memref<8192x1024xf32, #tpu.memory_space<hbm>>) target(%arg9 : memref<8x1024xf32, #tpu.memory_space<vmem>>) offsets(%dma_start3A_310 : memref<8xi32, #tpu.memory_space<vmem>>) semaphore(%arg17 : memref<!tpu.dma_semaphore, #tpu.memory_space<semaphore_mem>>)
      %dma_wait3A_314 = arith.constant 0 : i32
      %dma_wait3A_315 = tpu.memref_slice %arg5[%dma_wait3A_314] : memref<1024xi32, #tpu.memory_space<vmem>> -> memref<8xi32, #tpu.memory_space<vmem>>
      %dma_wait3A_316 = arith.constant 0 : i32
      %dma_wait3A_317 = arith.constant 0 : i32
      %dma_wait3A_318 = tpu.memref_slice %arg3[%dma_wait3A_316, %dma_wait3A_317] : memref<8192x1024xf32, #tpu.memory_space<hbm>> -> memref<8192x1024xf32, #tpu.memory_space<hbm>>
      tpu.wait_indirect_dma semaphore(%arg18 : memref<!tpu.dma_semaphore, #tpu.memory_space<semaphore_mem>>) src(%dma_wait3A_318 : memref<8192x1024xf32, #tpu.memory_space<hbm>>) dst(%arg10 : memref<8x1024xf32, #tpu.memory_space<vmem>>)
      %add3A_319 = arith.constant 4 : i32
      %add3A_320 = arith.addi %add3A_201, %add3A_319 : i32
      %mul3A_321 = arith.constant 8 : i32
      %mul3A_322 = arith.muli %add3A_320, %mul3A_321 : i32
      %add3A_323 = arith.addi %mul3A_2, %mul3A_322 : i32
      %dma_start3A_324 = arith.constant 0 : i32
      %dma_start3A_325 = tpu.memref_slice %arg4[%add3A_323, %dma_start3A_324] : memref<32768x1024xf32, #tpu.memory_space<hbm>> -> memref<8x1024xf32, #tpu.memory_space<hbm>>
      %dma_start3A_326 = arith.constant 0 : i32
      %dma_start3A_327 = tpu.memref_slice %arg4[%add3A_323, %dma_start3A_326] : memref<32768x1024xf32, #tpu.memory_space<hbm>> -> memref<8x1024xf32, #tpu.memory_space<hbm>>
      tpu.enqueue_dma source(%arg10 : memref<8x1024xf32, #tpu.memory_space<vmem>>) target(%dma_start3A_327 : memref<8x1024xf32, #tpu.memory_space<hbm>>) target_semaphore(%arg26 : memref<!tpu.dma_semaphore, #tpu.memory_space<semaphore_mem>>)
      %dma_wait3A_328 = arith.constant 0 : i32
      %dma_wait3A_329 = tpu.memref_slice %arg4[%mul3A_2, %dma_wait3A_328] : memref<32768x1024xf32, #tpu.memory_space<hbm>> -> memref<8x1024xf32, #tpu.memory_space<hbm>>
      %dma_wait3A_330 = arith.constant 0 : i32
      %dma_wait3A_331 = tpu.memref_slice %arg4[%mul3A_2, %dma_wait3A_330] : memref<32768x1024xf32, #tpu.memory_space<hbm>> -> memref<8x1024xf32, #tpu.memory_space<hbm>>
      tpu.wait_dma2 semaphore(%arg26 : memref<!tpu.dma_semaphore, #tpu.memory_space<semaphore_mem>>) src(%arg10 : memref<8x1024xf32, #tpu.memory_space<vmem>>) dst(%dma_wait3A_331 : memref<8x1024xf32, #tpu.memory_space<hbm>>)
      %add3A_332 = arith.constant 8 : i32
      %add3A_333 = arith.addi %add3A_201, %add3A_332 : i32
      %add3A_334 = arith.constant 4 : i32
      %add3A_335 = arith.addi %add3A_333, %add3A_334 : i32
      %mul3A_336 = arith.constant 8 : i32
      %mul3A_337 = arith.muli %add3A_335, %mul3A_336 : i32
      %dma_start3A_338 = tpu.memref_slice %arg5[%mul3A_337] : memref<1024xi32, #tpu.memory_space<vmem>> -> memref<8xi32, #tpu.memory_space<vmem>>
      %dma_start3A_339 = arith.constant 0 : i32
      %dma_start3A_340 = arith.constant 0 : i32
      %dma_start3A_341 = tpu.memref_slice %arg3[%dma_start3A_339, %dma_start3A_340] : memref<8192x1024xf32, #tpu.memory_space<hbm>> -> memref<8192x1024xf32, #tpu.memory_space<hbm>>
      tpu.enqueue_indirect_dma source(%dma_start3A_341 : memref<8192x1024xf32, #tpu.memory_space<hbm>>) target(%arg10 : memref<8x1024xf32, #tpu.memory_space<vmem>>) offsets(%dma_start3A_338 : memref<8xi32, #tpu.memory_space<vmem>>) semaphore(%arg18 : memref<!tpu.dma_semaphore, #tpu.memory_space<semaphore_mem>>)
      %dma_wait3A_342 = arith.constant 0 : i32
      %dma_wait3A_343 = tpu.memref_slice %arg5[%dma_wait3A_342] : memref<1024xi32, #tpu.memory_space<vmem>> -> memref<8xi32, #tpu.memory_space<vmem>>
      %dma_wait3A_344 = arith.constant 0 : i32
      %dma_wait3A_345 = arith.constant 0 : i32
      %dma_wait3A_346 = tpu.memref_slice %arg3[%dma_wait3A_344, %dma_wait3A_345] : memref<8192x1024xf32, #tpu.memory_space<hbm>> -> memref<8192x1024xf32, #tpu.memory_space<hbm>>
      tpu.wait_indirect_dma semaphore(%arg19 : memref<!tpu.dma_semaphore, #tpu.memory_space<semaphore_mem>>) src(%dma_wait3A_346 : memref<8192x1024xf32, #tpu.memory_space<hbm>>) dst(%arg11 : memref<8x1024xf32, #tpu.memory_space<vmem>>)
      %add3A_347 = arith.constant 5 : i32
      %add3A_348 = arith.addi %add3A_201, %add3A_347 : i32
      %mul3A_349 = arith.constant 8 : i32
      %mul3A_350 = arith.muli %add3A_348, %mul3A_349 : i32
      %add3A_351 = arith.addi %mul3A_2, %mul3A_350 : i32
      %dma_start3A_352 = arith.constant 0 : i32
      %dma_start3A_353 = tpu.memref_slice %arg4[%add3A_351, %dma_start3A_352] : memref<32768x1024xf32, #tpu.memory_space<hbm>> -> memref<8x1024xf32, #tpu.memory_space<hbm>>
      %dma_start3A_354 = arith.constant 0 : i32
      %dma_start3A_355 = tpu.memref_slice %arg4[%add3A_351, %dma_start3A_354] : memref<32768x1024xf32, #tpu.memory_space<hbm>> -> memref<8x1024xf32, #tpu.memory_space<hbm>>
      tpu.enqueue_dma source(%arg11 : memref<8x1024xf32, #tpu.memory_space<vmem>>) target(%dma_start3A_355 : memref<8x1024xf32, #tpu.memory_space<hbm>>) target_semaphore(%arg27 : memref<!tpu.dma_semaphore, #tpu.memory_space<semaphore_mem>>)
      %dma_wait3A_356 = arith.constant 0 : i32
      %dma_wait3A_357 = tpu.memref_slice %arg4[%mul3A_2, %dma_wait3A_356] : memref<32768x1024xf32, #tpu.memory_space<hbm>> -> memref<8x1024xf32, #tpu.memory_space<hbm>>
      %dma_wait3A_358 = arith.constant 0 : i32
      %dma_wait3A_359 = tpu.memref_slice %arg4[%mul3A_2, %dma_wait3A_358] : memref<32768x1024xf32, #tpu.memory_space<hbm>> -> memref<8x1024xf32, #tpu.memory_space<hbm>>
      tpu.wait_dma2 semaphore(%arg27 : memref<!tpu.dma_semaphore, #tpu.memory_space<semaphore_mem>>) src(%arg11 : memref<8x1024xf32, #tpu.memory_space<vmem>>) dst(%dma_wait3A_359 : memref<8x1024xf32, #tpu.memory_space<hbm>>)
      %add3A_360 = arith.constant 8 : i32
      %add3A_361 = arith.addi %add3A_201, %add3A_360 : i32
      %add3A_362 = arith.constant 5 : i32
      %add3A_363 = arith.addi %add3A_361, %add3A_362 : i32
      %mul3A_364 = arith.constant 8 : i32
      %mul3A_365 = arith.muli %add3A_363, %mul3A_364 : i32
      %dma_start3A_366 = tpu.memref_slice %arg5[%mul3A_365] : memref<1024xi32, #tpu.memory_space<vmem>> -> memref<8xi32, #tpu.memory_space<vmem>>
      %dma_start3A_367 = arith.constant 0 : i32
      %dma_start3A_368 = arith.constant 0 : i32
      %dma_start3A_369 = tpu.memref_slice %arg3[%dma_start3A_367, %dma_start3A_368] : memref<8192x1024xf32, #tpu.memory_space<hbm>> -> memref<8192x1024xf32, #tpu.memory_space<hbm>>
      tpu.enqueue_indirect_dma source(%dma_start3A_369 : memref<8192x1024xf32, #tpu.memory_space<hbm>>) target(%arg11 : memref<8x1024xf32, #tpu.memory_space<vmem>>) offsets(%dma_start3A_366 : memref<8xi32, #tpu.memory_space<vmem>>) semaphore(%arg19 : memref<!tpu.dma_semaphore, #tpu.memory_space<semaphore_mem>>)
      %dma_wait3A_370 = arith.constant 0 : i32
      %dma_wait3A_371 = tpu.memref_slice %arg5[%dma_wait3A_370] : memref<1024xi32, #tpu.memory_space<vmem>> -> memref<8xi32, #tpu.memory_space<vmem>>
      %dma_wait3A_372 = arith.constant 0 : i32
      %dma_wait3A_373 = arith.constant 0 : i32
      %dma_wait3A_374 = tpu.memref_slice %arg3[%dma_wait3A_372, %dma_wait3A_373] : memref<8192x1024xf32, #tpu.memory_space<hbm>> -> memref<8192x1024xf32, #tpu.memory_space<hbm>>
      tpu.wait_indirect_dma semaphore(%arg20 : memref<!tpu.dma_semaphore, #tpu.memory_space<semaphore_mem>>) src(%dma_wait3A_374 : memref<8192x1024xf32, #tpu.memory_space<hbm>>) dst(%arg12 : memref<8x1024xf32, #tpu.memory_space<vmem>>)
      %add3A_375 = arith.constant 6 : i32
      %add3A_376 = arith.addi %add3A_201, %add3A_375 : i32
      %mul3A_377 = arith.constant 8 : i32
      %mul3A_378 = arith.muli %add3A_376, %mul3A_377 : i32
      %add3A_379 = arith.addi %mul3A_2, %mul3A_378 : i32
      %dma_start3A_380 = arith.constant 0 : i32
      %dma_start3A_381 = tpu.memref_slice %arg4[%add3A_379, %dma_start3A_380] : memref<32768x1024xf32, #tpu.memory_space<hbm>> -> memref<8x1024xf32, #tpu.memory_space<hbm>>
      %dma_start3A_382 = arith.constant 0 : i32
      %dma_start3A_383 = tpu.memref_slice %arg4[%add3A_379, %dma_start3A_382] : memref<32768x1024xf32, #tpu.memory_space<hbm>> -> memref<8x1024xf32, #tpu.memory_space<hbm>>
      tpu.enqueue_dma source(%arg12 : memref<8x1024xf32, #tpu.memory_space<vmem>>) target(%dma_start3A_383 : memref<8x1024xf32, #tpu.memory_space<hbm>>) target_semaphore(%arg28 : memref<!tpu.dma_semaphore, #tpu.memory_space<semaphore_mem>>)
      %dma_wait3A_384 = arith.constant 0 : i32
      %dma_wait3A_385 = tpu.memref_slice %arg4[%mul3A_2, %dma_wait3A_384] : memref<32768x1024xf32, #tpu.memory_space<hbm>> -> memref<8x1024xf32, #tpu.memory_space<hbm>>
      %dma_wait3A_386 = arith.constant 0 : i32
      %dma_wait3A_387 = tpu.memref_slice %arg4[%mul3A_2, %dma_wait3A_386] : memref<32768x1024xf32, #tpu.memory_space<hbm>> -> memref<8x1024xf32, #tpu.memory_space<hbm>>
      tpu.wait_dma2 semaphore(%arg28 : memref<!tpu.dma_semaphore, #tpu.memory_space<semaphore_mem>>) src(%arg12 : memref<8x1024xf32, #tpu.memory_space<vmem>>) dst(%dma_wait3A_387 : memref<8x1024xf32, #tpu.memory_space<hbm>>)
      %add3A_388 = arith.constant 8 : i32
      %add3A_389 = arith.addi %add3A_201, %add3A_388 : i32
      %add3A_390 = arith.constant 6 : i32
      %add3A_391 = arith.addi %add3A_389, %add3A_390 : i32
      %mul3A_392 = arith.constant 8 : i32
      %mul3A_393 = arith.muli %add3A_391, %mul3A_392 : i32
      %dma_start3A_394 = tpu.memref_slice %arg5[%mul3A_393] : memref<1024xi32, #tpu.memory_space<vmem>> -> memref<8xi32, #tpu.memory_space<vmem>>
      %dma_start3A_395 = arith.constant 0 : i32
      %dma_start3A_396 = arith.constant 0 : i32
      %dma_start3A_397 = tpu.memref_slice %arg3[%dma_start3A_395, %dma_start3A_396] : memref<8192x1024xf32, #tpu.memory_space<hbm>> -> memref<8192x1024xf32, #tpu.memory_space<hbm>>
      tpu.enqueue_indirect_dma source(%dma_start3A_397 : memref<8192x1024xf32, #tpu.memory_space<hbm>>) target(%arg12 : memref<8x1024xf32, #tpu.memory_space<vmem>>) offsets(%dma_start3A_394 : memref<8xi32, #tpu.memory_space<vmem>>) semaphore(%arg20 : memref<!tpu.dma_semaphore, #tpu.memory_space<semaphore_mem>>)
      %dma_wait3A_398 = arith.constant 0 : i32
      %dma_wait3A_399 = tpu.memref_slice %arg5[%dma_wait3A_398] : memref<1024xi32, #tpu.memory_space<vmem>> -> memref<8xi32, #tpu.memory_space<vmem>>
      %dma_wait3A_400 = arith.constant 0 : i32
      %dma_wait3A_401 = arith.constant 0 : i32
      %dma_wait3A_402 = tpu.memref_slice %arg3[%dma_wait3A_400, %dma_wait3A_401] : memref<8192x1024xf32, #tpu.memory_space<hbm>> -> memref<8192x1024xf32, #tpu.memory_space<hbm>>
      tpu.wait_indirect_dma semaphore(%arg21 : memref<!tpu.dma_semaphore, #tpu.memory_space<semaphore_mem>>) src(%dma_wait3A_402 : memref<8192x1024xf32, #tpu.memory_space<hbm>>) dst(%arg13 : memref<8x1024xf32, #tpu.memory_space<vmem>>)
      %add3A_403 = arith.constant 7 : i32
      %add3A_404 = arith.addi %add3A_201, %add3A_403 : i32
      %mul3A_405 = arith.constant 8 : i32
      %mul3A_406 = arith.muli %add3A_404, %mul3A_405 : i32
      %add3A_407 = arith.addi %mul3A_2, %mul3A_406 : i32
      %dma_start3A_408 = arith.constant 0 : i32
      %dma_start3A_409 = tpu.memref_slice %arg4[%add3A_407, %dma_start3A_408] : memref<32768x1024xf32, #tpu.memory_space<hbm>> -> memref<8x1024xf32, #tpu.memory_space<hbm>>
      %dma_start3A_410 = arith.constant 0 : i32
      %dma_start3A_411 = tpu.memref_slice %arg4[%add3A_407, %dma_start3A_410] : memref<32768x1024xf32, #tpu.memory_space<hbm>> -> memref<8x1024xf32, #tpu.memory_space<hbm>>
      tpu.enqueue_dma source(%arg13 : memref<8x1024xf32, #tpu.memory_space<vmem>>) target(%dma_start3A_411 : memref<8x1024xf32, #tpu.memory_space<hbm>>) target_semaphore(%arg29 : memref<!tpu.dma_semaphore, #tpu.memory_space<semaphore_mem>>)
      %dma_wait3A_412 = arith.constant 0 : i32
      %dma_wait3A_413 = tpu.memref_slice %arg4[%mul3A_2, %dma_wait3A_412] : memref<32768x1024xf32, #tpu.memory_space<hbm>> -> memref<8x1024xf32, #tpu.memory_space<hbm>>
      %dma_wait3A_414 = arith.constant 0 : i32
      %dma_wait3A_415 = tpu.memref_slice %arg4[%mul3A_2, %dma_wait3A_414] : memref<32768x1024xf32, #tpu.memory_space<hbm>> -> memref<8x1024xf32, #tpu.memory_space<hbm>>
      tpu.wait_dma2 semaphore(%arg29 : memref<!tpu.dma_semaphore, #tpu.memory_space<semaphore_mem>>) src(%arg13 : memref<8x1024xf32, #tpu.memory_space<vmem>>) dst(%dma_wait3A_415 : memref<8x1024xf32, #tpu.memory_space<hbm>>)
      %add3A_416 = arith.constant 8 : i32
      %add3A_417 = arith.addi %add3A_201, %add3A_416 : i32
      %add3A_418 = arith.constant 7 : i32
      %add3A_419 = arith.addi %add3A_417, %add3A_418 : i32
      %mul3A_420 = arith.constant 8 : i32
      %mul3A_421 = arith.muli %add3A_419, %mul3A_420 : i32
      %dma_start3A_422 = tpu.memref_slice %arg5[%mul3A_421] : memref<1024xi32, #tpu.memory_space<vmem>> -> memref<8xi32, #tpu.memory_space<vmem>>
      %dma_start3A_423 = arith.constant 0 : i32
      %dma_start3A_424 = arith.constant 0 : i32
      %dma_start3A_425 = tpu.memref_slice %arg3[%dma_start3A_423, %dma_start3A_424] : memref<8192x1024xf32, #tpu.memory_space<hbm>> -> memref<8192x1024xf32, #tpu.memory_space<hbm>>
      tpu.enqueue_indirect_dma source(%dma_start3A_425 : memref<8192x1024xf32, #tpu.memory_space<hbm>>) target(%arg13 : memref<8x1024xf32, #tpu.memory_space<vmem>>) offsets(%dma_start3A_422 : memref<8xi32, #tpu.memory_space<vmem>>) semaphore(%arg21 : memref<!tpu.dma_semaphore, #tpu.memory_space<semaphore_mem>>)
    }
    %scan3A_77 = arith.constant 15 : i32
    %dma_wait3A = arith.constant 0 : i32
    %dma_wait3A_78 = tpu.memref_slice %arg5[%dma_wait3A] : memref<1024xi32, #tpu.memory_space<vmem>> -> memref<8xi32, #tpu.memory_space<vmem>>
    %dma_wait3A_79 = arith.constant 0 : i32
    %dma_wait3A_80 = arith.constant 0 : i32
    %dma_wait3A_81 = tpu.memref_slice %arg3[%dma_wait3A_79, %dma_wait3A_80] : memref<8192x1024xf32, #tpu.memory_space<hbm>> -> memref<8192x1024xf32, #tpu.memory_space<hbm>>
    tpu.wait_indirect_dma semaphore(%arg14 : memref<!tpu.dma_semaphore, #tpu.memory_space<semaphore_mem>>) src(%dma_wait3A_81 : memref<8192x1024xf32, #tpu.memory_space<hbm>>) dst(%arg6 : memref<8x1024xf32, #tpu.memory_space<vmem>>)
    %add3A_82 = arith.constant 960 : i32
    %add3A_83 = arith.addi %mul3A_2, %add3A_82 : i32
    %dma_start3A_84 = arith.constant 0 : i32
    %dma_start3A_85 = tpu.memref_slice %arg4[%add3A_83, %dma_start3A_84] : memref<32768x1024xf32, #tpu.memory_space<hbm>> -> memref<8x1024xf32, #tpu.memory_space<hbm>>
    %dma_start3A_86 = arith.constant 0 : i32
    %dma_start3A_87 = tpu.memref_slice %arg4[%add3A_83, %dma_start3A_86] : memref<32768x1024xf32, #tpu.memory_space<hbm>> -> memref<8x1024xf32, #tpu.memory_space<hbm>>
    tpu.enqueue_dma source(%arg6 : memref<8x1024xf32, #tpu.memory_space<vmem>>) target(%dma_start3A_87 : memref<8x1024xf32, #tpu.memory_space<hbm>>) target_semaphore(%arg22 : memref<!tpu.dma_semaphore, #tpu.memory_space<semaphore_mem>>)
    %dma_wait3A_88 = arith.constant 0 : i32
    %dma_wait3A_89 = tpu.memref_slice %arg5[%dma_wait3A_88] : memref<1024xi32, #tpu.memory_space<vmem>> -> memref<8xi32, #tpu.memory_space<vmem>>
    %dma_wait3A_90 = arith.constant 0 : i32
    %dma_wait3A_91 = arith.constant 0 : i32
    %dma_wait3A_92 = tpu.memref_slice %arg3[%dma_wait3A_90, %dma_wait3A_91] : memref<8192x1024xf32, #tpu.memory_space<hbm>> -> memref<8192x1024xf32, #tpu.memory_space<hbm>>
    tpu.wait_indirect_dma semaphore(%arg15 : memref<!tpu.dma_semaphore, #tpu.memory_space<semaphore_mem>>) src(%dma_wait3A_92 : memref<8192x1024xf32, #tpu.memory_space<hbm>>) dst(%arg7 : memref<8x1024xf32, #tpu.memory_space<vmem>>)
    %add3A_93 = arith.constant 968 : i32
    %add3A_94 = arith.addi %mul3A_2, %add3A_93 : i32
    %dma_start3A_95 = arith.constant 0 : i32
    %dma_start3A_96 = tpu.memref_slice %arg4[%add3A_94, %dma_start3A_95] : memref<32768x1024xf32, #tpu.memory_space<hbm>> -> memref<8x1024xf32, #tpu.memory_space<hbm>>
    %dma_start3A_97 = arith.constant 0 : i32
    %dma_start3A_98 = tpu.memref_slice %arg4[%add3A_94, %dma_start3A_97] : memref<32768x1024xf32, #tpu.memory_space<hbm>> -> memref<8x1024xf32, #tpu.memory_space<hbm>>
    tpu.enqueue_dma source(%arg7 : memref<8x1024xf32, #tpu.memory_space<vmem>>) target(%dma_start3A_98 : memref<8x1024xf32, #tpu.memory_space<hbm>>) target_semaphore(%arg23 : memref<!tpu.dma_semaphore, #tpu.memory_space<semaphore_mem>>)
    %dma_wait3A_99 = arith.constant 0 : i32
    %dma_wait3A_100 = tpu.memref_slice %arg5[%dma_wait3A_99] : memref<1024xi32, #tpu.memory_space<vmem>> -> memref<8xi32, #tpu.memory_space<vmem>>
    %dma_wait3A_101 = arith.constant 0 : i32
    %dma_wait3A_102 = arith.constant 0 : i32
    %dma_wait3A_103 = tpu.memref_slice %arg3[%dma_wait3A_101, %dma_wait3A_102] : memref<8192x1024xf32, #tpu.memory_space<hbm>> -> memref<8192x1024xf32, #tpu.memory_space<hbm>>
    tpu.wait_indirect_dma semaphore(%arg16 : memref<!tpu.dma_semaphore, #tpu.memory_space<semaphore_mem>>) src(%dma_wait3A_103 : memref<8192x1024xf32, #tpu.memory_space<hbm>>) dst(%arg8 : memref<8x1024xf32, #tpu.memory_space<vmem>>)
    %add3A_104 = arith.constant 976 : i32
    %add3A_105 = arith.addi %mul3A_2, %add3A_104 : i32
    %dma_start3A_106 = arith.constant 0 : i32
    %dma_start3A_107 = tpu.memref_slice %arg4[%add3A_105, %dma_start3A_106] : memref<32768x1024xf32, #tpu.memory_space<hbm>> -> memref<8x1024xf32, #tpu.memory_space<hbm>>
    %dma_start3A_108 = arith.constant 0 : i32
    %dma_start3A_109 = tpu.memref_slice %arg4[%add3A_105, %dma_start3A_108] : memref<32768x1024xf32, #tpu.memory_space<hbm>> -> memref<8x1024xf32, #tpu.memory_space<hbm>>
    tpu.enqueue_dma source(%arg8 : memref<8x1024xf32, #tpu.memory_space<vmem>>) target(%dma_start3A_109 : memref<8x1024xf32, #tpu.memory_space<hbm>>) target_semaphore(%arg24 : memref<!tpu.dma_semaphore, #tpu.memory_space<semaphore_mem>>)
    %dma_wait3A_110 = arith.constant 0 : i32
    %dma_wait3A_111 = tpu.memref_slice %arg5[%dma_wait3A_110] : memref<1024xi32, #tpu.memory_space<vmem>> -> memref<8xi32, #tpu.memory_space<vmem>>
    %dma_wait3A_112 = arith.constant 0 : i32
    %dma_wait3A_113 = arith.constant 0 : i32
    %dma_wait3A_114 = tpu.memref_slice %arg3[%dma_wait3A_112, %dma_wait3A_113] : memref<8192x1024xf32, #tpu.memory_space<hbm>> -> memref<8192x1024xf32, #tpu.memory_space<hbm>>
    tpu.wait_indirect_dma semaphore(%arg17 : memref<!tpu.dma_semaphore, #tpu.memory_space<semaphore_mem>>) src(%dma_wait3A_114 : memref<8192x1024xf32, #tpu.memory_space<hbm>>) dst(%arg9 : memref<8x1024xf32, #tpu.memory_space<vmem>>)
    %add3A_115 = arith.constant 984 : i32
    %add3A_116 = arith.addi %mul3A_2, %add3A_115 : i32
    %dma_start3A_117 = arith.constant 0 : i32
    %dma_start3A_118 = tpu.memref_slice %arg4[%add3A_116, %dma_start3A_117] : memref<32768x1024xf32, #tpu.memory_space<hbm>> -> memref<8x1024xf32, #tpu.memory_space<hbm>>
    %dma_start3A_119 = arith.constant 0 : i32
    %dma_start3A_120 = tpu.memref_slice %arg4[%add3A_116, %dma_start3A_119] : memref<32768x1024xf32, #tpu.memory_space<hbm>> -> memref<8x1024xf32, #tpu.memory_space<hbm>>
    tpu.enqueue_dma source(%arg9 : memref<8x1024xf32, #tpu.memory_space<vmem>>) target(%dma_start3A_120 : memref<8x1024xf32, #tpu.memory_space<hbm>>) target_semaphore(%arg25 : memref<!tpu.dma_semaphore, #tpu.memory_space<semaphore_mem>>)
    %dma_wait3A_121 = arith.constant 0 : i32
    %dma_wait3A_122 = tpu.memref_slice %arg5[%dma_wait3A_121] : memref<1024xi32, #tpu.memory_space<vmem>> -> memref<8xi32, #tpu.memory_space<vmem>>
    %dma_wait3A_123 = arith.constant 0 : i32
    %dma_wait3A_124 = arith.constant 0 : i32
    %dma_wait3A_125 = tpu.memref_slice %arg3[%dma_wait3A_123, %dma_wait3A_124] : memref<8192x1024xf32, #tpu.memory_space<hbm>> -> memref<8192x1024xf32, #tpu.memory_space<hbm>>
    tpu.wait_indirect_dma semaphore(%arg18 : memref<!tpu.dma_semaphore, #tpu.memory_space<semaphore_mem>>) src(%dma_wait3A_125 : memref<8192x1024xf32, #tpu.memory_space<hbm>>) dst(%arg10 : memref<8x1024xf32, #tpu.memory_space<vmem>>)
    %add3A_126 = arith.constant 992 : i32
    %add3A_127 = arith.addi %mul3A_2, %add3A_126 : i32
    %dma_start3A_128 = arith.constant 0 : i32
    %dma_start3A_129 = tpu.memref_slice %arg4[%add3A_127, %dma_start3A_128] : memref<32768x1024xf32, #tpu.memory_space<hbm>> -> memref<8x1024xf32, #tpu.memory_space<hbm>>
    %dma_start3A_130 = arith.constant 0 : i32
    %dma_start3A_131 = tpu.memref_slice %arg4[%add3A_127, %dma_start3A_130] : memref<32768x1024xf32, #tpu.memory_space<hbm>> -> memref<8x1024xf32, #tpu.memory_space<hbm>>
    tpu.enqueue_dma source(%arg10 : memref<8x1024xf32, #tpu.memory_space<vmem>>) target(%dma_start3A_131 : memref<8x1024xf32, #tpu.memory_space<hbm>>) target_semaphore(%arg26 : memref<!tpu.dma_semaphore, #tpu.memory_space<semaphore_mem>>)
    %dma_wait3A_132 = arith.constant 0 : i32
    %dma_wait3A_133 = tpu.memref_slice %arg5[%dma_wait3A_132] : memref<1024xi32, #tpu.memory_space<vmem>> -> memref<8xi32, #tpu.memory_space<vmem>>
    %dma_wait3A_134 = arith.constant 0 : i32
    %dma_wait3A_135 = arith.constant 0 : i32
    %dma_wait3A_136 = tpu.memref_slice %arg3[%dma_wait3A_134, %dma_wait3A_135] : memref<8192x1024xf32, #tpu.memory_space<hbm>> -> memref<8192x1024xf32, #tpu.memory_space<hbm>>
    tpu.wait_indirect_dma semaphore(%arg19 : memref<!tpu.dma_semaphore, #tpu.memory_space<semaphore_mem>>) src(%dma_wait3A_136 : memref<8192x1024xf32, #tpu.memory_space<hbm>>) dst(%arg11 : memref<8x1024xf32, #tpu.memory_space<vmem>>)
    %add3A_137 = arith.constant 1000 : i32
    %add3A_138 = arith.addi %mul3A_2, %add3A_137 : i32
    %dma_start3A_139 = arith.constant 0 : i32
    %dma_start3A_140 = tpu.memref_slice %arg4[%add3A_138, %dma_start3A_139] : memref<32768x1024xf32, #tpu.memory_space<hbm>> -> memref<8x1024xf32, #tpu.memory_space<hbm>>
    %dma_start3A_141 = arith.constant 0 : i32
    %dma_start3A_142 = tpu.memref_slice %arg4[%add3A_138, %dma_start3A_141] : memref<32768x1024xf32, #tpu.memory_space<hbm>> -> memref<8x1024xf32, #tpu.memory_space<hbm>>
    tpu.enqueue_dma source(%arg11 : memref<8x1024xf32, #tpu.memory_space<vmem>>) target(%dma_start3A_142 : memref<8x1024xf32, #tpu.memory_space<hbm>>) target_semaphore(%arg27 : memref<!tpu.dma_semaphore, #tpu.memory_space<semaphore_mem>>)
    %dma_wait3A_143 = arith.constant 0 : i32
    %dma_wait3A_144 = tpu.memref_slice %arg5[%dma_wait3A_143] : memref<1024xi32, #tpu.memory_space<vmem>> -> memref<8xi32, #tpu.memory_space<vmem>>
    %dma_wait3A_145 = arith.constant 0 : i32
    %dma_wait3A_146 = arith.constant 0 : i32
    %dma_wait3A_147 = tpu.memref_slice %arg3[%dma_wait3A_145, %dma_wait3A_146] : memref<8192x1024xf32, #tpu.memory_space<hbm>> -> memref<8192x1024xf32, #tpu.memory_space<hbm>>
    tpu.wait_indirect_dma semaphore(%arg20 : memref<!tpu.dma_semaphore, #tpu.memory_space<semaphore_mem>>) src(%dma_wait3A_147 : memref<8192x1024xf32, #tpu.memory_space<hbm>>) dst(%arg12 : memref<8x1024xf32, #tpu.memory_space<vmem>>)
    %add3A_148 = arith.constant 1008 : i32
    %add3A_149 = arith.addi %mul3A_2, %add3A_148 : i32
    %dma_start3A_150 = arith.constant 0 : i32
    %dma_start3A_151 = tpu.memref_slice %arg4[%add3A_149, %dma_start3A_150] : memref<32768x1024xf32, #tpu.memory_space<hbm>> -> memref<8x1024xf32, #tpu.memory_space<hbm>>
    %dma_start3A_152 = arith.constant 0 : i32
    %dma_start3A_153 = tpu.memref_slice %arg4[%add3A_149, %dma_start3A_152] : memref<32768x1024xf32, #tpu.memory_space<hbm>> -> memref<8x1024xf32, #tpu.memory_space<hbm>>
    tpu.enqueue_dma source(%arg12 : memref<8x1024xf32, #tpu.memory_space<vmem>>) target(%dma_start3A_153 : memref<8x1024xf32, #tpu.memory_space<hbm>>) target_semaphore(%arg28 : memref<!tpu.dma_semaphore, #tpu.memory_space<semaphore_mem>>)
    %dma_wait3A_154 = arith.constant 0 : i32
    %dma_wait3A_155 = tpu.memref_slice %arg5[%dma_wait3A_154] : memref<1024xi32, #tpu.memory_space<vmem>> -> memref<8xi32, #tpu.memory_space<vmem>>
    %dma_wait3A_156 = arith.constant 0 : i32
    %dma_wait3A_157 = arith.constant 0 : i32
    %dma_wait3A_158 = tpu.memref_slice %arg3[%dma_wait3A_156, %dma_wait3A_157] : memref<8192x1024xf32, #tpu.memory_space<hbm>> -> memref<8192x1024xf32, #tpu.memory_space<hbm>>
    tpu.wait_indirect_dma semaphore(%arg21 : memref<!tpu.dma_semaphore, #tpu.memory_space<semaphore_mem>>) src(%dma_wait3A_158 : memref<8192x1024xf32, #tpu.memory_space<hbm>>) dst(%arg13 : memref<8x1024xf32, #tpu.memory_space<vmem>>)
    %add3A_159 = arith.constant 1016 : i32
    %add3A_160 = arith.addi %mul3A_2, %add3A_159 : i32
    %dma_start3A_161 = arith.constant 0 : i32
    %dma_start3A_162 = tpu.memref_slice %arg4[%add3A_160, %dma_start3A_161] : memref<32768x1024xf32, #tpu.memory_space<hbm>> -> memref<8x1024xf32, #tpu.memory_space<hbm>>
    %dma_start3A_163 = arith.constant 0 : i32
    %dma_start3A_164 = tpu.memref_slice %arg4[%add3A_160, %dma_start3A_163] : memref<32768x1024xf32, #tpu.memory_space<hbm>> -> memref<8x1024xf32, #tpu.memory_space<hbm>>
    tpu.enqueue_dma source(%arg13 : memref<8x1024xf32, #tpu.memory_space<vmem>>) target(%dma_start3A_164 : memref<8x1024xf32, #tpu.memory_space<hbm>>) target_semaphore(%arg29 : memref<!tpu.dma_semaphore, #tpu.memory_space<semaphore_mem>>)
    %dma_wait3A_165 = arith.constant 0 : i32
    %dma_wait3A_166 = tpu.memref_slice %arg4[%mul3A_2, %dma_wait3A_165] : memref<32768x1024xf32, #tpu.memory_space<hbm>> -> memref<8x1024xf32, #tpu.memory_space<hbm>>
    %dma_wait3A_167 = arith.constant 0 : i32
    %dma_wait3A_168 = tpu.memref_slice %arg4[%mul3A_2, %dma_wait3A_167] : memref<32768x1024xf32, #tpu.memory_space<hbm>> -> memref<8x1024xf32, #tpu.memory_space<hbm>>
    tpu.wait_dma2 semaphore(%arg22 : memref<!tpu.dma_semaphore, #tpu.memory_space<semaphore_mem>>) src(%arg6 : memref<8x1024xf32, #tpu.memory_space<vmem>>) dst(%dma_wait3A_168 : memref<8x1024xf32, #tpu.memory_space<hbm>>)
    %dma_wait3A_169 = arith.constant 0 : i32
    %dma_wait3A_170 = tpu.memref_slice %arg4[%mul3A_2, %dma_wait3A_169] : memref<32768x1024xf32, #tpu.memory_space<hbm>> -> memref<8x1024xf32, #tpu.memory_space<hbm>>
    %dma_wait3A_171 = arith.constant 0 : i32
    %dma_wait3A_172 = tpu.memref_slice %arg4[%mul3A_2, %dma_wait3A_171] : memref<32768x1024xf32, #tpu.memory_space<hbm>> -> memref<8x1024xf32, #tpu.memory_space<hbm>>
    tpu.wait_dma2 semaphore(%arg23 : memref<!tpu.dma_semaphore, #tpu.memory_space<semaphore_mem>>) src(%arg7 : memref<8x1024xf32, #tpu.memory_space<vmem>>) dst(%dma_wait3A_172 : memref<8x1024xf32, #tpu.memory_space<hbm>>)
    %dma_wait3A_173 = arith.constant 0 : i32
    %dma_wait3A_174 = tpu.memref_slice %arg4[%mul3A_2, %dma_wait3A_173] : memref<32768x1024xf32, #tpu.memory_space<hbm>> -> memref<8x1024xf32, #tpu.memory_space<hbm>>
    %dma_wait3A_175 = arith.constant 0 : i32
    %dma_wait3A_176 = tpu.memref_slice %arg4[%mul3A_2, %dma_wait3A_175] : memref<32768x1024xf32, #tpu.memory_space<hbm>> -> memref<8x1024xf32, #tpu.memory_space<hbm>>
    tpu.wait_dma2 semaphore(%arg24 : memref<!tpu.dma_semaphore, #tpu.memory_space<semaphore_mem>>) src(%arg8 : memref<8x1024xf32, #tpu.memory_space<vmem>>) dst(%dma_wait3A_176 : memref<8x1024xf32, #tpu.memory_space<hbm>>)
    %dma_wait3A_177 = arith.constant 0 : i32
    %dma_wait3A_178 = tpu.memref_slice %arg4[%mul3A_2, %dma_wait3A_177] : memref<32768x1024xf32, #tpu.memory_space<hbm>> -> memref<8x1024xf32, #tpu.memory_space<hbm>>
    %dma_wait3A_179 = arith.constant 0 : i32
    %dma_wait3A_180 = tpu.memref_slice %arg4[%mul3A_2, %dma_wait3A_179] : memref<32768x1024xf32, #tpu.memory_space<hbm>> -> memref<8x1024xf32, #tpu.memory_space<hbm>>
    tpu.wait_dma2 semaphore(%arg25 : memref<!tpu.dma_semaphore, #tpu.memory_space<semaphore_mem>>) src(%arg9 : memref<8x1024xf32, #tpu.memory_space<vmem>>) dst(%dma_wait3A_180 : memref<8x1024xf32, #tpu.memory_space<hbm>>)
    %dma_wait3A_181 = arith.constant 0 : i32
    %dma_wait3A_182 = tpu.memref_slice %arg4[%mul3A_2, %dma_wait3A_181] : memref<32768x1024xf32, #tpu.memory_space<hbm>> -> memref<8x1024xf32, #tpu.memory_space<hbm>>
    %dma_wait3A_183 = arith.constant 0 : i32
    %dma_wait3A_184 = tpu.memref_slice %arg4[%mul3A_2, %dma_wait3A_183] : memref<32768x1024xf32, #tpu.memory_space<hbm>> -> memref<8x1024xf32, #tpu.memory_space<hbm>>
    tpu.wait_dma2 semaphore(%arg26 : memref<!tpu.dma_semaphore, #tpu.memory_space<semaphore_mem>>) src(%arg10 : memref<8x1024xf32, #tpu.memory_space<vmem>>) dst(%dma_wait3A_184 : memref<8x1024xf32, #tpu.memory_space<hbm>>)
    %dma_wait3A_185 = arith.constant 0 : i32
    %dma_wait3A_186 = tpu.memref_slice %arg4[%mul3A_2, %dma_wait3A_185] : memref<32768x1024xf32, #tpu.memory_space<hbm>> -> memref<8x1024xf32, #tpu.memory_space<hbm>>
    %dma_wait3A_187 = arith.constant 0 : i32
    %dma_wait3A_188 = tpu.memref_slice %arg4[%mul3A_2, %dma_wait3A_187] : memref<32768x1024xf32, #tpu.memory_space<hbm>> -> memref<8x1024xf32, #tpu.memory_space<hbm>>
    tpu.wait_dma2 semaphore(%arg27 : memref<!tpu.dma_semaphore, #tpu.memory_space<semaphore_mem>>) src(%arg11 : memref<8x1024xf32, #tpu.memory_space<vmem>>) dst(%dma_wait3A_188 : memref<8x1024xf32, #tpu.memory_space<hbm>>)
    %dma_wait3A_189 = arith.constant 0 : i32
    %dma_wait3A_190 = tpu.memref_slice %arg4[%mul3A_2, %dma_wait3A_189] : memref<32768x1024xf32, #tpu.memory_space<hbm>> -> memref<8x1024xf32, #tpu.memory_space<hbm>>
    %dma_wait3A_191 = arith.constant 0 : i32
    %dma_wait3A_192 = tpu.memref_slice %arg4[%mul3A_2, %dma_wait3A_191] : memref<32768x1024xf32, #tpu.memory_space<hbm>> -> memref<8x1024xf32, #tpu.memory_space<hbm>>
    tpu.wait_dma2 semaphore(%arg28 : memref<!tpu.dma_semaphore, #tpu.memory_space<semaphore_mem>>) src(%arg12 : memref<8x1024xf32, #tpu.memory_space<vmem>>) dst(%dma_wait3A_192 : memref<8x1024xf32, #tpu.memory_space<hbm>>)
    %dma_wait3A_193 = arith.constant 0 : i32
    %dma_wait3A_194 = tpu.memref_slice %arg4[%mul3A_2, %dma_wait3A_193] : memref<32768x1024xf32, #tpu.memory_space<hbm>> -> memref<8x1024xf32, #tpu.memory_space<hbm>>
    %dma_wait3A_195 = arith.constant 0 : i32
    %dma_wait3A_196 = tpu.memref_slice %arg4[%mul3A_2, %dma_wait3A_195] : memref<32768x1024xf32, #tpu.memory_space<hbm>> -> memref<8x1024xf32, #tpu.memory_space<hbm>>
    tpu.wait_dma2 semaphore(%arg29 : memref<!tpu.dma_semaphore, #tpu.memory_space<semaphore_mem>>) src(%arg13 : memref<8x1024xf32, #tpu.memory_space<vmem>>) dst(%dma_wait3A_196 : memref<8x1024xf32, #tpu.memory_space<hbm>>)
    return
  }
}

</mosaic_0001>

<sc_bundles>
// kernel: kernel.3.cloned.1.call-start
scs
__scs_entry_jumppad:
0x0: {  	(pc) =	sbr.rel $0x88, $3  }
0x1: {  	(tag) =	ssettag $0x0;
	lr =	simm.s32 $0x1  }
0x2: {  	[smem:$0x3F9F] =	sst lr;
	_ =	strace $0xD0000000  }
0x3: {  	_ = 	snop  }
0x4: {  	_ = 	snop  }
0x5: {  	_ = 	snop  }
0x6: {  	_ = 	snop  }
0x7: {  	_ = 	snop  }
__scs_overlays_trampoline_lowered:
0x8: {  	[smem:$0x3FAE] =	sst s0  }
0x9: {  	[smem:$0x3FAF] =	sst s1  }
0xa: {  	[smem:$0x3FB0] =	sst s2  }
0xb: {  	[smem:$0x3FB1] =	sst s3  }
0xc: {  	[smem:$0x3FB2] =	sst s4  }
0xd: {  	[smem:$0x3FB3] =	sst s5  }
0xe: {  	[smem:$0x3FB4] =	sst s6  }
0xf: {  	[smem:$0x3FB5] =	sst s7  }
0x10: {  	[smem:$0x3FB6] =	sst s8  }
0x11: {  	[smem:$0x3FB7] =	sst s9;
	s0 =	simm.s32 @!p0 $0x0  }
0x12: {  	s1 =	sld [smem:$0x3F9D];
	s0 =	simm.s32 @p0 $0x1  }
0x13: {  	[smem:$0x3FB8] =	sst s0;
	s0 =	simm.s32 @!p1 $0x0  }
0x14: {  	s2 =	sld [smem:$0x3F9C];
	s0 =	simm.s32 @p1 $0x1  }
0x15: {  	[smem:$0x3FB9] =	sst s0;
	s0 =	simm.s32 @!p2 $0x0  }
0x16: {  	s3 =	sld [smem:$0x3FDB];
	s0 =	simm.s32 @p2 $0x1  }
0x17: {  	s4 =	simm.s32 $0x1BF5;
	[smem:$0x3FBB] =	sst s0  }
0x18: {  	s0 =	sld [smem:$0x3F9E];
	_ =	swait.ge [sflag:s4], $0x0  }
0x19: {  	s7 =	sld [smem:$0x3F9F]  }
0x1a: {  	s8 =	sadd.s32 $0xFFFFE003, lr  }
0x1b: {  	s9 =	sadd.s32 $0xFFFFFEF7, lr;
	s5 =	simm.s32 $0xFFFFFFFF;
	p2 =	slt.u32 s8, $0xFFFFF086  }
0x1c: {  	p1 =	slt.u32 s9, $0xF7A;
	s5 =	simm.s32 @!p2 $0x0  }
0x1d: {  	s5 =	simm.s32 @p1 $0x1;
	p0 =	seq.s32 s7, s2  }
0x1e: {  	s7 =	smul.u32 @!p0 $0xF7A, s2;
	p2 =	seq.s32 @!p0 s5, $0x0  }
0x1f: {  	s9 =	smul.u32 $0xF7A, s1;
	s8 =	simm.s32 @!p0 $0x1BF5;
	p2 =	por !p2, p0  }
0x20: {  	[sflag:s8] =	ssyncset.s32 @!p0 $0xFFFFF086;
	s6 =	sadd.s32 @!p0 s3, s7;
	s7 =	simm.s32 @!p0 $0x108  }
0x21: {  	s3 =	sadd.s32 s3, s9;
	s6 =	sadd.s32 @!p0 $0x88, s6;
	s7 =	simm.s32 @p2 $0x1082  }
0x22: {  	[simem:s7], [sflag:s8] =	dma.local @!p0 [hbm:s6], $0xF7A  }
0x23: {  	s9 =	sor.u32 $0xD0000000, s2;
	s6 =	simm.s32 $0x108;
	_ =	swait.ge @!p0 [sflag:s8], $0x0  }
0x24: {  	s3 =	sadd.s32 $0x88, s3;
	s6 =	simm.s32 @!p1 $0x1082;
	[sflag:s4] =	ssyncset.s32 $0xFFFFF086  }
0x25: {  	[simem:s6], [sflag:s4] =	dma.local [hbm:s3], $0xF7A  }
0x26: {  	[smem:$0x3F9F] =	sst s1;
	(tag) =	ssettag s2;
	_ =	strace s9  }
0x27: {  	s1 =	sld [smem:$0x3FAF]  }
0x28: {  	s2 =	sld [smem:$0x3FB0]  }
0x29: {  	s4 =	sld [smem:$0x3FB2]  }
0x2a: {  	p0 =	seq.s32 s5, $0x0;
	s5 =	sld [smem:$0x3FB3]  }
0x2b: {  	s6 =	sld [smem:$0x3FB4]  }
0x2c: {  	s7 =	sld [smem:$0x3FB5]  }
0x2d: {  	s3 =	simm.s32 $0x108;
	s8 =	sld [smem:$0x3FB6]  }
0x2e: {  	s3 =	simm.s32 @!p0 $0x1082;
	s9 =	sld [smem:$0x3FB7]  }
0x2f: {  	lr =	sadd.s32 s0, s3;
	s0 =	sld [smem:$0x3FAE]  }
0x30: {  	s3 =	sld [smem:$0x3FB1]  }
0x31: {  	[smem:$0x3FBA] =	sst s10  }
0x32: {  	s10 =	sld [smem:$0x3FB8];
	_ =	sdelay $0x3  }
0x33: {  	p0 =	seq.s32 s10, $0x1;
	s10 =	sld [smem:$0x3FBA];
	_ =	sdelay $0x3  }
0x34: {  	[smem:$0x3FBA] =	sst s10  }
0x35: {  	s10 =	sld [smem:$0x3FB9];
	_ =	sdelay $0x3  }
0x36: {  	p1 =	seq.s32 s10, $0x1;
	s10 =	sld [smem:$0x3FBA];
	_ =	sdelay $0x3  }
0x37: {  	[smem:$0x3FBA] =	sst s10  }
0x38: {  	s10 =	sld [smem:$0x3FBB]  }
0x39: {  	_ = 	snop;
	(pc) =	sbr.ind lr, $3  }
0x3a: {  	_ = 	snop  }
0x3b: {  	_ = 	snop  }
0x3c: {  	p2 =	seq.s32 s10, $0x1;
	s10 =	sld [smem:$0x3FBA]  }
0x3d: {  	_ =	shalt  }
0x3e: {  	_ =	shalt  }
0x3f: {  	_ =	shalt  }
0x40: {  	_ =	shalt  }
0x41: {  	_ =	shalt  }
0x42: {  	_ =	shalt  }
0x43: {  	_ =	shalt  }
0x44: {  	_ =	shalt  }
0x45: {  	_ =	shalt  }
0x46: {  	_ =	shalt  }
0x47: {  	_ =	shalt  }
0x48: {  	_ =	shalt  }
0x49: {  	_ =	shalt  }
0x4a: {  	_ =	shalt  }
0x4b: {  	_ =	shalt  }
0x4c: {  	_ =	shalt  }
0x4d: {  	_ =	shalt  }
0x4e: {  	_ =	shalt  }
0x4f: {  	_ =	shalt  }
0x50: {  	_ =	shalt  }
0x51: {  	_ =	shalt  }
0x52: {  	_ =	shalt  }
0x53: {  	_ =	shalt  }
0x54: {  	_ =	shalt  }
0x55: {  	_ =	shalt  }
0x56: {  	_ =	shalt  }
0x57: {  	_ =	shalt  }
0x58: {  	_ =	shalt  }
0x59: {  	_ =	shalt  }
0x5a: {  	_ =	shalt  }
0x5b: {  	_ =	shalt  }
0x5c: {  	_ =	shalt  }
0x5d: {  	_ =	shalt  }
0x5e: {  	_ =	shalt  }
0x5f: {  	_ =	shalt  }
0x60: {  	_ =	shalt  }
0x61: {  	_ =	shalt  }
0x62: {  	_ =	shalt  }
0x63: {  	_ =	shalt  }
0x64: {  	_ =	shalt  }
0x65: {  	_ =	shalt  }
0x66: {  	_ =	shalt  }
0x67: {  	_ =	shalt  }
0x68: {  	_ =	shalt  }
0x69: {  	_ =	shalt  }
0x6a: {  	_ =	shalt  }
0x6b: {  	_ =	shalt  }
0x6c: {  	_ =	shalt  }
0x6d: {  	_ =	shalt  }
0x6e: {  	_ =	shalt  }
0x6f: {  	_ =	shalt  }
0x70: {  	_ =	shalt  }
0x71: {  	_ =	shalt  }
0x72: {  	_ =	shalt  }
0x73: {  	_ =	shalt  }
0x74: {  	_ =	shalt  }
0x75: {  	_ =	shalt  }
0x76: {  	_ =	shalt  }
0x77: {  	_ =	shalt  }
0x78: {  	_ =	shalt  }
0x79: {  	_ =	shalt  }
0x7a: {  	_ =	shalt  }
0x7b: {  	_ =	shalt  }
0x7c: {  	_ =	shalt  }
0x7d: {  	_ =	shalt  }
0x7e: {  	_ =	shalt  }
0x7f: {  	_ =	shalt  }
0x80: {  	_ =	shalt  }
0x81: {  	_ =	shalt  }
0x82: {  	_ =	shalt  }
0x83: {  	_ =	shalt  }
0x84: {  	_ =	shalt  }
0x85: {  	_ =	shalt  }
0x86: {  	_ =	shalt  }
0x87: {  	_ =	shalt  }
.Lfunc_end0:
.L_simem_size_0:
called_computation_lowered:
.L_overlay_start_0:
0x88: {  	s2 =	sld [smem:$0x3FD9]  }
0x89: {  	s3 =	sld [smem:$0x3FFE];
	_ =	sdelay $0x1  }
0x8a: {  	s1 =	srdreg.scid  }
0x8b: {  	s0 =	sand.u32 $0x1, s1  }
0x8c: {  	s18 =	sshll.u32 s0, $0xA;
	s2 =	sadd.s32 s3, s2  }
0x8d: {  	s2 =	sadd.s32 s2, s18  }
0x8e: {  	[smem:$0x3FC6] =	sst s2  }
0x8f: {  	_ = 	snop  }
0x90: {  	s2 =	sld [smem:$0x3FC9]  }
0x91: {  	s19 =	sld [smem:$0x3FC8]  }
0x92: {  	s4 =	sld [smem:$0x3FD0];
	(tm) =	ssettm $0x1  }
0x93: {  	s5 =	sld [smem:$0x3FFB];
	_ =	sdelay $0x3  }
0x94: {  	_ =	strace s5  }
0x95: {  	s5 =	sld [smem:$0x3FFC];
	_ =	sdelay $0x3  }
0x96: {  	_ =	strace s5  }
0x97: {  	s5 =	sld [smem:$0x3FFD];
	_ =	sdelay $0x3  }
0x98: {  	_ =	strace s5  }
0x99: {  	_ =	strace $0x8FFFFFFF  }
0x9a: {  	s20 =	sld [smem:$0x3FDB];
	_ =	sdelay $0x1  }
0x9b: {  	s6 =	simm.s32 $_scs_section_size  }
0x9c: {  	s7 =	simm.s32 $_size__tile_overlayer_lowered;
	s8 =	simm.s32 $_tile_overlayer_lowered  }
0x9d: {  	s23 =	simm.s32 $0x1BFF;
	s22 =	sshll.u32 s8, $0x1;
	s5 =	sadd.s32 s6, s20  }
0x9e: {  	s9 =	simm.s32 $0x0;
	s21 =	sshll.u32 s7, $0x1;
	s7 =	sadd.s32 s22, s5  }
0x9f: {  	[timem:s9], [sflag:s23] =	dma.local [hbm:s7], s21  }
0xa0: {  	_ =	swait.ge [sflag:s23], s21  }
0xa1: {  	s6 =	ssub.s32 $0x0, s21;
	[sflag:s23] =	ssyncset.done $0x0  }
0xa2: {  	[sflag:s23] =	ssyncadd.s32 s6;
	_ =	sdelay $0x1  }
0xa3: {  	s24 =	simm.s32 $0x1B8B  }
0xa4: {  	_ =	swait.ge [sflag:s24], $0x1  }
0xa5: {  	[sflag:s24] =	ssyncset.done $0x0  }
0xa6: {  	s25 =	simm.s32 $0x1B8E;
	[sflag:s24] =	ssyncadd.s32 $0xFFFFFFFF  }
0xa7: {  	s26 =	simm.s32 $execute0_lowered;
	[smem:$0x3FD2] =	sst s25  }
0xa8: {  	s6 =	sshll.u32 s26, $0x1;
	_ =	strace $0x80000046;
	[dreg:$0x1] =	wrdreg $0xFFFFFFFF  }
0xa9: {  	s28 =	simm.s32 $_size_execute0_lowered;
	s5 =	sadd.s32 s5, s6;
	[dreg:$0x0] =	wrdreg $0x0  }
0xaa: {  	s6 =	sshll.u32 s28, $0x1;
	[dreg:$0x2] =	wrdreg s5  }
0xab: {  	[dreg:$0x3] =	wrdreg s6  }
0xac: {  	[dreg:$0x4] =	wrdreg $0xC0  }
0xad: {  	_ =	task [dreg:s9], $0x5FFFF  }
0xae: {  	[dreg:$0x1] =	wrdreg $0xFFFFFFFF  }
0xaf: {  	[dreg:$0x0] =	wrdreg $0x60  }
0xb0: {  	[dreg:$0x2] =	wrdreg s2  }
0xb1: {  	[dreg:$0x3] =	wrdreg s19  }
0xb2: {  	[dreg:$0x4] =	wrdreg s4  }
0xb3: {  	[dreg:$0x5] =	wrdreg $0x9  }
0xb4: {  	_ =	task.clear_ibuf [dreg:s9], $0x6FFFF;
	_ =	strace $0x90000046  }
0xb5: {  	s29 =	simm.s32 $0x9;
	_ =	strace $0x80000048  }
0xb6: {  	_ =	swait.ge [sflag:s29], $0x1  }
0xb7: {  	[sflag:s29] =	ssyncadd.s32 $0xFFFFFFFF  }
0xb8: {  	_ =	strace $0x90000048  }
0xb9: {  	_ =	sfence  }
0xba: {  	s30 =	sld [smem:$0x0];
	_ =	sdelay $0x2  }
0xbb: {  	s31 =	sshll.u32 s1, $0xD;
	s1 =	sshrl.u32 s1, $0x2  }
0xbc: {  	s3 =	sand.u32 $0x4000, s31;
	s1 =	sadd.s32 s1, s30  }
0xbd: {  	s0 =	sor.u32 s3, s0;
	s1 =	sshll.u32 s1, $0x11  }
0xbe: {  	s0 =	sor.u32 s1, s0  }
0xbf: {  	s0 =	sadd.s32 $0x8F2B, s0  }
0xc0: {  	[sflag:s0] =	ssyncadd.remote.s32 $0x1  }
0xc1: {  	_ =	sfence.sel $0xFFFF  }
0xc2: {  	[dreg:$0x0] =	wrdreg $0xFFFFFFFF;
	(pc) =	sbr.abs _section_cstart, $3  }
0xc3: {  	[dreg:$0x1] =	wrdreg $0xFFFFFFFF  }
0xc4: {  	_ =	task.clear_ibuf [dreg:s9], $0x2FFFF;
	_ =	strace $0x9FFFFFFF  }
0xc5: {  	(tm) =	ssettm $0x7FFFFFFF  }
tec
execute0_lowered:
.L_overlay_start_1:
0x0: {  	(tag) =	ssettag $0x1  }
0x1: {  	s0 =	rddreg [dreg:$0x0]  }
0x2: {  	s1 =	rddreg [dreg:$0x1]  }
0x3: {  	s2 =	rddreg [dreg:$0x2];
	s3 =	simm.s32 $0x0;
	s4 =	srdreg.scid  }
0x4: {  	s10 =	stileid.u32;
	s29 =	simm.s32 $0x400;
	s28 =	simm.s32 $0x1C00  }
0x5: {  	s12 =	simm.s32 $0x6400;
	s30 =	simm.s32 $0x8400;
	s31 =	simm.s32 $0x8C00  }
0x6: {  	s13 =	simm.s32 $0x2;
	[smem:$0x7FF] =	sst s3;
	s4 =	sand.u32 $0x1, s4  }
0x7: {  	s5 =	sshll.u32 s10, $0x1;
	s14 =	sshll.u32 s10, $0x2;
	s22 =	sshll.u32 s10, $0x12  }
0x8: {  	s10 =	simm.s32 $0x0;
	_ =	strace $0x80000047;
	s6 =	ssub.s32 $0x2, s4  }
0x9: {  	s7 =	sor.u32 s4, s5;
	s5 =	sand.u32 $0x30, s14;
	s4 =	sshll.u32 s4, $0x11  }
0xa: {  	s14 =	simm.s32 $0x8;
	s8 =	sshrl.u32 s6, $0x1;
	s9 =	sshll.u32 s7, $0x9  }
0xb: {  	s0 =	sadd.s32 s0, s5;
	s5 =	sadd.s32 $0x100, s1;
	s15 =	sand.u32 $0xE00, s9  }
0xc: {  	s16 =	sshll.u32 s7, $0x11;
	s8 =	ssub.s32 s6, s8;
	s0 =	sadd.s32 s15, s0  }
0xd: {  	s26 =	smax.u32 s8, $0x1;
	[dreg:$0x5] =	wrdreg s0;
	s0 =	sadd.s32 s16, s2  }
0xe: {  	s7 =	sadd.s32 $0x300, s1;
	[dreg:$0xe] =	wrdreg s26;
	s17 =	sadd.s32 $0x1E000, s0  }
0xf: {  	s6 =	sadd.s32 $0x200, s1;
	s18 =	sadd.s32 $0x1E400, s0;
	[dreg:$0x6] =	wrdreg s17  }
0x10: {  	s9 =	simm.s32 $0xE400;
	s19 =	sadd.s32 $0x1E800, s0;
	[dreg:$0x7] =	wrdreg s18  }
0x11: {  	s8 =	simm.s32 $0x4400;
	s20 =	sadd.s32 $0x1EC00, s0;
	[dreg:$0x8] =	wrdreg s19  }
0x12: {  	s15 =	simm.s32 $0x3;
	s21 =	sadd.s32 $0x1F000, s0;
	[dreg:$0x9] =	wrdreg s20  }
0x13: {  	s2 =	sadd.s32 s22, s2;
	s23 =	sadd.s32 $0x1F400, s0;
	[dreg:$0xa] =	wrdreg s21  }
0x14: {  	s16 =	simm.s32 $0x4C00;
	s24 =	sadd.s32 $0x1F800, s0;
	[dreg:$0xb] =	wrdreg s23  }
0x15: {  	s22 =	simm.s32 $0x6;
	s0 =	sadd.s32 $0x1FC00, s0;
	[dreg:$0xc] =	wrdreg s24  }
0x16: {  	s25 =	sadd.s32 s4, s2;
	s2 =	simm.s32 $0x2400;
	[dreg:$0xd] =	wrdreg s0  }
0x17: {  	v0 =	vlaneseq.u32;
	s4 =	simm.s32 $0xCC00;
	[dreg:$0x4] =	wrdreg s25;
	s23 =	simm.s32 $0x6C00  }
0x18: {  	v1 =	vshrl.u32 v0, $0x3;
	s0 =	simm.s32 $0xA400;
	s17 =	simm.s32 $0xAC00;
	s18 =	simm.s32 $0xC400  }
0x19: {  	vm0 =	vmmov $0xffff;
	v0 =	vand.u32 $0x7, v0;
	v1 =	vmul.u32 $0x8, v1;
	s21 =	simm.s32 $0x4;
	s25 =	simm.s32 $0x5;
	s19 =	simm.s32 $0x7  }
.LBB2_1:
0x1a: {  	s20 =	rddreg [dreg:$0x5];
	s24 =	simm.s32 $0x80;
	s26 =	simm.s32 $0x200  }
0x1b: {  	[tilespmem:s3], [sflag:$0x11] =	stream.strided.gather [hbm4b:s20+s24], $0x400, s26, s24, $0x38;
	[tilespmem:$0x10400] =	vst v63  }
0x1c: {  	[dreg:$0xf] =	wrdreg s10;
	s26 =	simm.s32 $0x11  }
0x1d: {  	_ =	swait.ge [sflag:s26], $0x400  }
0x1e: {  	[sflag:s26] =	ssyncset.done $0x0  }
0x1f: {  	[sflag:s26] =	ssyncadd.s32 $0xFFFFFC00  }
0x20: {  	v2 =	vld.msk [tilespmem:$0x0], $0xff;
	_ =	sdelay $0x4  }
0x21: {  	v3 =	vshll.u32 v2, $0x3  }
0x22: {  	v2 =	vand.u32 $0x7, v2;
	v3 =	vand.u32 $0xFFFFFFC0, v3  }
0x23: {  	v2 =	vor.u32 v2, v3  }
0x24: {  	v2 =	vperm.xlane v2, v0;
	_ =	sdelay $0x1  }
0x25: {  	v2 =	vadd.s32 v1, v2;
	_ =	sdelay $0x4  }
0x26: {  	[tilespmem:s29], [sflag:$0x1] =	stream.indirect_vreg.gather [hbm4b:s1+s3], $0x80, v2, vm0, $0xb8;
	[tilespmem:$0x10400] =	vst v63  }
0x27: {  	s29 =	simm.s32 $0xC00  }
0x28: {  	[tilespmem:s29], [sflag:$0x1] =	stream.indirect_vreg.gather [hbm4b:s5+s3], $0x80, v2, vm0, $0xb8;
	[tilespmem:$0x10400] =	vst v63  }
0x29: {  	s24 =	simm.s32 $0x1400  }
0x2a: {  	[tilespmem:s24], [sflag:$0x1] =	stream.indirect_vreg.gather [hbm4b:s6+s3], $0x80, v2, vm0, $0xb8;
	[tilespmem:$0x10400] =	vst v63  }
0x2b: {  	_ = 	snop  }
0x2c: {  	[tilespmem:s28], [sflag:$0x1] =	stream.indirect_vreg.gather [hbm4b:s7+s3], $0x80, v2, vm0, $0xb8;
	[tilespmem:$0x10400] =	vst v63  }
0x2d: {  	v2 =	vld.msk [tilespmem:$0x8], $0xff;
	_ =	sdelay $0x4  }
0x2e: {  	v3 =	vshll.u32 v2, $0x3  }
0x2f: {  	v2 =	vand.u32 $0x7, v2;
	v3 =	vand.u32 $0xFFFFFFC0, v3  }
0x30: {  	v2 =	vor.u32 v2, v3  }
0x31: {  	v2 =	vperm.xlane v2, v0;
	_ =	sdelay $0x1  }
0x32: {  	v2 =	vadd.s32 v1, v2;
	_ =	sdelay $0x4  }
0x33: {  	[tilespmem:s2], [sflag:$0x2] =	stream.indirect_vreg.gather [hbm4b:s1+s3], $0x80, v2, vm0, $0xb8;
	[tilespmem:$0x10400] =	vst v63  }
0x34: {  	s26 =	simm.s32 $0x2C00  }
0x35: {  	[tilespmem:s26], [sflag:$0x2] =	stream.indirect_vreg.gather [hbm4b:s5+s3], $0x80, v2, vm0, $0xb8;
	[tilespmem:$0x10400] =	vst v63  }
0x36: {  	s29 =	simm.s32 $0x3400  }
0x37: {  	[tilespmem:s29], [sflag:$0x2] =	stream.indirect_vreg.gather [hbm4b:s6+s3], $0x80, v2, vm0, $0xb8;
	[tilespmem:$0x10400] =	vst v63  }
0x38: {  	s20 =	simm.s32 $0x3C00  }
0x39: {  	[tilespmem:s20], [sflag:$0x2] =	stream.indirect_vreg.gather [hbm4b:s7+s3], $0x80, v2, vm0, $0xb8;
	[tilespmem:$0x10400] =	vst v63  }
0x3a: {  	v2 =	vld.msk [tilespmem:$0x10], $0xff;
	_ =	sdelay $0x4  }
0x3b: {  	v3 =	vshll.u32 v2, $0x3  }
0x3c: {  	v2 =	vand.u32 $0x7, v2;
	v3 =	vand.u32 $0xFFFFFFC0, v3  }
0x3d: {  	v2 =	vor.u32 v2, v3  }
0x3e: {  	v2 =	vperm.xlane v2, v0;
	_ =	sdelay $0x1  }
0x3f: {  	v2 =	vadd.s32 v1, v2;
	_ =	sdelay $0x4  }
0x40: {  	[tilespmem:s8], [sflag:$0x3] =	stream.indirect_vreg.gather [hbm4b:s1+s3], $0x80, v2, vm0, $0xb8;
	[tilespmem:$0x10400] =	vst v63  }
0x41: {  	_ = 	snop  }
0x42: {  	[tilespmem:s16], [sflag:$0x3] =	stream.indirect_vreg.gather [hbm4b:s5+s3], $0x80, v2, vm0, $0xb8;
	[tilespmem:$0x10400] =	vst v63  }
0x43: {  	s24 =	simm.s32 $0x5400  }
0x44: {  	[tilespmem:s24], [sflag:$0x3] =	stream.indirect_vreg.gather [hbm4b:s6+s3], $0x80, v2, vm0, $0xb8;
	[tilespmem:$0x10400] =	vst v63  }
0x45: {  	s26 =	simm.s32 $0x5C00  }
0x46: {  	[tilespmem:s26], [sflag:$0x3] =	stream.indirect_vreg.gather [hbm4b:s7+s3], $0x80, v2, vm0, $0xb8;
	[tilespmem:$0x10400] =	vst v63  }
0x47: {  	v2 =	vld.msk [tilespmem:$0x18], $0xff;
	_ =	sdelay $0x4  }
0x48: {  	v3 =	vshll.u32 v2, $0x3  }
0x49: {  	v2 =	vand.u32 $0x7, v2;
	v3 =	vand.u32 $0xFFFFFFC0, v3  }
0x4a: {  	v2 =	vor.u32 v2, v3  }
0x4b: {  	v2 =	vperm.xlane v2, v0;
	_ =	sdelay $0x1  }
0x4c: {  	v2 =	vadd.s32 v1, v2;
	_ =	sdelay $0x4  }
0x4d: {  	[tilespmem:s12], [sflag:$0x4] =	stream.indirect_vreg.gather [hbm4b:s1+s3], $0x80, v2, vm0, $0xb8;
	[tilespmem:$0x10400] =	vst v63  }
0x4e: {  	_ = 	snop  }
0x4f: {  	[tilespmem:s23], [sflag:$0x4] =	stream.indirect_vreg.gather [hbm4b:s5+s3], $0x80, v2, vm0, $0xb8;
	[tilespmem:$0x10400] =	vst v63  }
0x50: {  	s29 =	simm.s32 $0x7400  }
0x51: {  	[tilespmem:s29], [sflag:$0x4] =	stream.indirect_vreg.gather [hbm4b:s6+s3], $0x80, v2, vm0, $0xb8;
	[tilespmem:$0x10400] =	vst v63  }
0x52: {  	s8 =	simm.s32 $0x7C00  }
0x53: {  	[tilespmem:s8], [sflag:$0x4] =	stream.indirect_vreg.gather [hbm4b:s7+s3], $0x80, v2, vm0, $0xb8;
	[tilespmem:$0x10400] =	vst v63  }
0x54: {  	v2 =	vld.msk [tilespmem:$0x20], $0xff;
	_ =	sdelay $0x4  }
0x55: {  	v3 =	vshll.u32 v2, $0x3  }
0x56: {  	v2 =	vand.u32 $0x7, v2;
	v3 =	vand.u32 $0xFFFFFFC0, v3  }
0x57: {  	v2 =	vor.u32 v2, v3  }
0x58: {  	v2 =	vperm.xlane v2, v0;
	_ =	sdelay $0x1  }
0x59: {  	v2 =	vadd.s32 v1, v2;
	_ =	sdelay $0x4  }
0x5a: {  	[tilespmem:s30], [sflag:$0x5] =	stream.indirect_vreg.gather [hbm4b:s1+s3], $0x80, v2, vm0, $0xb8;
	[tilespmem:$0x10400] =	vst v63  }
0x5b: {  	_ = 	snop  }
0x5c: {  	[tilespmem:s31], [sflag:$0x5] =	stream.indirect_vreg.gather [hbm4b:s5+s3], $0x80, v2, vm0, $0xb8;
	[tilespmem:$0x10400] =	vst v63  }
0x5d: {  	s12 =	simm.s32 $0x9400  }
0x5e: {  	[tilespmem:s12], [sflag:$0x5] =	stream.indirect_vreg.gather [hbm4b:s6+s3], $0x80, v2, vm0, $0xb8;
	[tilespmem:$0x10400] =	vst v63  }
0x5f: {  	s16 =	simm.s32 $0x9C00  }
0x60: {  	[tilespmem:s16], [sflag:$0x5] =	stream.indirect_vreg.gather [hbm4b:s7+s3], $0x80, v2, vm0, $0xb8;
	[tilespmem:$0x10400] =	vst v63  }
0x61: {  	v2 =	vld.msk [tilespmem:$0x28], $0xff;
	_ =	sdelay $0x4  }
0x62: {  	v3 =	vshll.u32 v2, $0x3  }
0x63: {  	v2 =	vand.u32 $0x7, v2;
	v3 =	vand.u32 $0xFFFFFFC0, v3  }
0x64: {  	v2 =	vor.u32 v2, v3  }
0x65: {  	v2 =	vperm.xlane v2, v0;
	_ =	sdelay $0x1  }
0x66: {  	v2 =	vadd.s32 v1, v2;
	_ =	sdelay $0x4  }
0x67: {  	[tilespmem:s0], [sflag:$0x6] =	stream.indirect_vreg.gather [hbm4b:s1+s3], $0x80, v2, vm0, $0xb8;
	[tilespmem:$0x10400] =	vst v63  }
0x68: {  	_ = 	snop  }
0x69: {  	[tilespmem:s17], [sflag:$0x6] =	stream.indirect_vreg.gather [hbm4b:s5+s3], $0x80, v2, vm0, $0xb8;
	[tilespmem:$0x10400] =	vst v63  }
0x6a: {  	s20 =	simm.s32 $0xB400  }
0x6b: {  	[tilespmem:s20], [sflag:$0x6] =	stream.indirect_vreg.gather [hbm4b:s6+s3], $0x80, v2, vm0, $0xb8;
	[tilespmem:$0x10400] =	vst v63  }
0x6c: {  	s23 =	simm.s32 $0xBC00  }
0x6d: {  	[tilespmem:s23], [sflag:$0x6] =	stream.indirect_vreg.gather [hbm4b:s7+s3], $0x80, v2, vm0, $0xb8;
	[tilespmem:$0x10400] =	vst v63  }
0x6e: {  	v2 =	vld.msk [tilespmem:$0x30], $0xff;
	_ =	sdelay $0x4  }
0x6f: {  	v3 =	vshll.u32 v2, $0x3  }
0x70: {  	v2 =	vand.u32 $0x7, v2;
	v3 =	vand.u32 $0xFFFFFFC0, v3  }
0x71: {  	v2 =	vor.u32 v2, v3  }
0x72: {  	v2 =	vperm.xlane v2, v0;
	_ =	sdelay $0x1  }
0x73: {  	v2 =	vadd.s32 v1, v2;
	_ =	sdelay $0x4  }
0x74: {  	[tilespmem:s18], [sflag:$0x7] =	stream.indirect_vreg.gather [hbm4b:s1+s3], $0x80, v2, vm0, $0xb8;
	[tilespmem:$0x10400] =	vst v63  }
0x75: {  	_ = 	snop  }
0x76: {  	[tilespmem:s4], [sflag:$0x7] =	stream.indirect_vreg.gather [hbm4b:s5+s3], $0x80, v2, vm0, $0xb8;
	[tilespmem:$0x10400] =	vst v63  }
0x77: {  	s24 =	simm.s32 $0xD400  }
0x78: {  	[tilespmem:s24], [sflag:$0x7] =	stream.indirect_vreg.gather [hbm4b:s6+s3], $0x80, v2, vm0, $0xb8;
	[tilespmem:$0x10400] =	vst v63  }
0x79: {  	s26 =	simm.s32 $0xDC00  }
0x7a: {  	[tilespmem:s26], [sflag:$0x7] =	stream.indirect_vreg.gather [hbm4b:s7+s3], $0x80, v2, vm0, $0xb8;
	[tilespmem:$0x10400] =	vst v63  }
0x7b: {  	v2 =	vld.msk [tilespmem:$0x38], $0xff;
	_ =	sdelay $0x4  }
0x7c: {  	v3 =	vshll.u32 v2, $0x3  }
0x7d: {  	v2 =	vand.u32 $0x7, v2;
	v3 =	vand.u32 $0xFFFFFFC0, v3  }
0x7e: {  	v2 =	vor.u32 v2, v3  }
0x7f: {  	v2 =	vperm.xlane v2, v0;
	_ =	sdelay $0x1  }
0x80: {  	v2 =	vadd.s32 v1, v2;
	_ =	sdelay $0x4  }
0x81: {  	[tilespmem:s9], [sflag:$0x8] =	stream.indirect_vreg.gather [hbm4b:s1+s3], $0x80, v2, vm0, $0xb8;
	[tilespmem:$0x10400] =	vst v63  }
0x82: {  	s29 =	simm.s32 $0xEC00  }
0x83: {  	[tilespmem:s29], [sflag:$0x8] =	stream.indirect_vreg.gather [hbm4b:s5+s3], $0x80, v2, vm0, $0xb8;
	[tilespmem:$0x10400] =	vst v63  }
0x84: {  	s11 =	simm.s32 $0x9;
	s10 =	simm.s32 $0x1;
	s30 =	simm.s32 $0xF400  }
0x85: {  	[tilespmem:s30], [sflag:$0x8] =	stream.indirect_vreg.gather [hbm4b:s6+s3], $0x80, v2, vm0, $0xb8;
	[tilespmem:$0x10400] =	vst v63  }
0x86: {  	s28 =	simm.s32 $0x0;
	s31 =	simm.s32 $0xFC00;
	s26 =	simm.s32 $0x78  }
0x87: {  	[tilespmem:s31], [sflag:$0x8] =	stream.indirect_vreg.gather [hbm4b:s7+s3], $0x80, v2, vm0, $0xb8;
	[tilespmem:$0x10400] =	vst v63  }
.LBB2_2:
0x88: {  	_ =	swait.ge [sflag:s10], $0x2000  }
0x89: {  	s20 =	rddreg [dreg:$0x4];
	[sflag:s10] =	ssyncset.done $0x0  }
0x8a: {  	s24 =	simm.s32 $0x400;
	[sflag:s10] =	ssyncadd.s32 $0xFFFFE000;
	s20 =	sadd.s32 s28, s20  }
0x8b: {  	[hbm4b:s20+s3] =	stream.linear.scatter [tilespmem:s24], [sflag:$0x9], $0x2000, $0x38;
	[tilespmem:$0x10400] =	vst v63  }
0x8c: {  	_ =	swait.ge [sflag:s11], $0x2000  }
0x8d: {  	[sflag:s11] =	ssyncset.done $0x0  }
0x8e: {  	[sflag:s11] =	ssyncadd.s32 $0xFFFFE000  }
0x8f: {  	v2 =	vld.msk [tilespmem:s26+$0xFFFFFFC8], $0xff;
	_ =	sdelay $0x4  }
0x90: {  	v3 =	vshll.u32 v2, $0x3  }
0x91: {  	v2 =	vand.u32 $0x7, v2;
	v3 =	vand.u32 $0xFFFFFFC0, v3  }
0x92: {  	v2 =	vor.u32 v2, v3  }
0x93: {  	v2 =	vperm.xlane v2, v0;
	_ =	sdelay $0x1  }
0x94: {  	v2 =	vadd.s32 v1, v2;
	_ =	sdelay $0x4  }
0x95: {  	[tilespmem:s24], [sflag:$0x1] =	stream.indirect_vreg.gather [hbm4b:s1+s3], $0x80, v2, vm0, $0xb8;
	[tilespmem:$0x10400] =	vst v63  }
0x96: {  	s0 =	simm.s32 $0xC00  }
0x97: {  	[tilespmem:s0], [sflag:$0x1] =	stream.indirect_vreg.gather [hbm4b:s5+s3], $0x80, v2, vm0, $0xb8;
	[tilespmem:$0x10400] =	vst v63  }
0x98: {  	s9 =	simm.s32 $0x1400  }
0x99: {  	[tilespmem:s9], [sflag:$0x1] =	stream.indirect_vreg.gather [hbm4b:s6+s3], $0x80, v2, vm0, $0xb8;
	[tilespmem:$0x10400] =	vst v63  }
0x9a: {  	s12 =	simm.s32 $0x1C00  }
0x9b: {  	[tilespmem:s12], [sflag:$0x1] =	stream.indirect_vreg.gather [hbm4b:s7+s3], $0x80, v2, vm0, $0xb8;
	[tilespmem:$0x10400] =	vst v63  }
0x9c: {  	_ =	swait.ge [sflag:s13], $0x2000  }
0x9d: {  	s8 =	simm.s32 $0x2400;
	[sflag:s13] =	ssyncset.done $0x0  }
0x9e: {  	s17 =	simm.s32 $0xA;
	s16 =	sadd.s32 $0x400, s20;
	[sflag:s13] =	ssyncadd.s32 $0xFFFFE000  }
0x9f: {  	[hbm4b:s16+s3] =	stream.linear.scatter [tilespmem:s8], [sflag:$0xA], $0x2000, $0x38;
	[tilespmem:$0x10400] =	vst v63  }
0xa0: {  	_ =	swait.ge [sflag:s17], $0x2000  }
0xa1: {  	[sflag:s17] =	ssyncset.done $0x0  }
0xa2: {  	[sflag:s17] =	ssyncadd.s32 $0xFFFFE000  }
0xa3: {  	v2 =	vld.msk [tilespmem:s26+$0xFFFFFFD0], $0xff;
	_ =	sdelay $0x4  }
0xa4: {  	v3 =	vshll.u32 v2, $0x3  }
0xa5: {  	v2 =	vand.u32 $0x7, v2;
	v3 =	vand.u32 $0xFFFFFFC0, v3  }
0xa6: {  	v2 =	vor.u32 v2, v3  }
0xa7: {  	v2 =	vperm.xlane v2, v0;
	_ =	sdelay $0x1  }
0xa8: {  	v2 =	vadd.s32 v1, v2;
	_ =	sdelay $0x4  }
0xa9: {  	[tilespmem:s8], [sflag:$0x2] =	stream.indirect_vreg.gather [hbm4b:s1+s3], $0x80, v2, vm0, $0xb8;
	[tilespmem:$0x10400] =	vst v63  }
0xaa: {  	s18 =	simm.s32 $0x2C00  }
0xab: {  	[tilespmem:s18], [sflag:$0x2] =	stream.indirect_vreg.gather [hbm4b:s5+s3], $0x80, v2, vm0, $0xb8;
	[tilespmem:$0x10400] =	vst v63  }
0xac: {  	s23 =	simm.s32 $0x3400  }
0xad: {  	[tilespmem:s23], [sflag:$0x2] =	stream.indirect_vreg.gather [hbm4b:s6+s3], $0x80, v2, vm0, $0xb8;
	[tilespmem:$0x10400] =	vst v63  }
0xae: {  	s24 =	simm.s32 $0x3C00  }
0xaf: {  	[tilespmem:s24], [sflag:$0x2] =	stream.indirect_vreg.gather [hbm4b:s7+s3], $0x80, v2, vm0, $0xb8;
	[tilespmem:$0x10400] =	vst v63  }
0xb0: {  	_ =	swait.ge [sflag:s15], $0x2000  }
0xb1: {  	s4 =	sadd.s32 $0x800, s20;
	[sflag:s15] =	ssyncset.done $0x0  }
0xb2: {  	s16 =	simm.s32 $0x4400;
	s8 =	simm.s32 $0xB;
	[sflag:s15] =	ssyncadd.s32 $0xFFFFE000  }
0xb3: {  	[hbm4b:s4+s3] =	stream.linear.scatter [tilespmem:s16], [sflag:$0xB], $0x2000, $0x38;
	[tilespmem:$0x10400] =	vst v63  }
0xb4: {  	_ =	swait.ge [sflag:s8], $0x2000  }
0xb5: {  	[sflag:s8] =	ssyncset.done $0x0  }
0xb6: {  	[sflag:s8] =	ssyncadd.s32 $0xFFFFE000  }
0xb7: {  	v2 =	vld.msk [tilespmem:s26+$0xFFFFFFD8], $0xff;
	_ =	sdelay $0x4  }
0xb8: {  	v3 =	vshll.u32 v2, $0x3  }
0xb9: {  	v2 =	vand.u32 $0x7, v2;
	v3 =	vand.u32 $0xFFFFFFC0, v3  }
0xba: {  	v2 =	vor.u32 v2, v3  }
0xbb: {  	v2 =	vperm.xlane v2, v0;
	_ =	sdelay $0x1  }
0xbc: {  	v2 =	vadd.s32 v1, v2;
	_ =	sdelay $0x4  }
0xbd: {  	[tilespmem:s16], [sflag:$0x3] =	stream.indirect_vreg.gather [hbm4b:s1+s3], $0x80, v2, vm0, $0xb8;
	[tilespmem:$0x10400] =	vst v63  }
0xbe: {  	s16 =	simm.s32 $0x4C00  }
0xbf: {  	[tilespmem:s16], [sflag:$0x3] =	stream.indirect_vreg.gather [hbm4b:s5+s3], $0x80, v2, vm0, $0xb8;
	[tilespmem:$0x10400] =	vst v63  }
0xc0: {  	s9 =	simm.s32 $0x5400  }
0xc1: {  	[tilespmem:s9], [sflag:$0x3] =	stream.indirect_vreg.gather [hbm4b:s6+s3], $0x80, v2, vm0, $0xb8;
	[tilespmem:$0x10400] =	vst v63  }
0xc2: {  	s12 =	simm.s32 $0x5C00  }
0xc3: {  	[tilespmem:s12], [sflag:$0x3] =	stream.indirect_vreg.gather [hbm4b:s7+s3], $0x80, v2, vm0, $0xb8;
	[tilespmem:$0x10400] =	vst v63  }
0xc4: {  	_ =	swait.ge [sflag:s21], $0x2000  }
0xc5: {  	s17 =	sadd.s32 $0xC00, s20;
	[sflag:s21] =	ssyncset.done $0x0  }
0xc6: {  	s18 =	simm.s32 $0xC;
	s23 =	simm.s32 $0x6400;
	[sflag:s21] =	ssyncadd.s32 $0xFFFFE000  }
0xc7: {  	[hbm4b:s17+s3] =	stream.linear.scatter [tilespmem:s23], [sflag:$0xC], $0x2000, $0x38;
	[tilespmem:$0x10400] =	vst v63  }
0xc8: {  	_ =	swait.ge [sflag:s18], $0x2000  }
0xc9: {  	[sflag:s18] =	ssyncset.done $0x0  }
0xca: {  	[sflag:s18] =	ssyncadd.s32 $0xFFFFE000  }
0xcb: {  	v2 =	vld.msk [tilespmem:s26+$0xFFFFFFE0], $0xff;
	_ =	sdelay $0x4  }
0xcc: {  	v3 =	vshll.u32 v2, $0x3  }
0xcd: {  	v2 =	vand.u32 $0x7, v2;
	v3 =	vand.u32 $0xFFFFFFC0, v3  }
0xce: {  	v2 =	vor.u32 v2, v3  }
0xcf: {  	v2 =	vperm.xlane v2, v0;
	_ =	sdelay $0x1  }
0xd0: {  	v2 =	vadd.s32 v1, v2;
	_ =	sdelay $0x4  }
0xd1: {  	[tilespmem:s23], [sflag:$0x4] =	stream.indirect_vreg.gather [hbm4b:s1+s3], $0x80, v2, vm0, $0xb8;
	[tilespmem:$0x10400] =	vst v63  }
0xd2: {  	s23 =	simm.s32 $0x6C00  }
0xd3: {  	[tilespmem:s23], [sflag:$0x4] =	stream.indirect_vreg.gather [hbm4b:s5+s3], $0x80, v2, vm0, $0xb8;
	[tilespmem:$0x10400] =	vst v63  }
0xd4: {  	s24 =	simm.s32 $0x7400  }
0xd5: {  	[tilespmem:s24], [sflag:$0x4] =	stream.indirect_vreg.gather [hbm4b:s6+s3], $0x80, v2, vm0, $0xb8;
	[tilespmem:$0x10400] =	vst v63  }
0xd6: {  	s4 =	simm.s32 $0x7C00  }
0xd7: {  	[tilespmem:s4], [sflag:$0x4] =	stream.indirect_vreg.gather [hbm4b:s7+s3], $0x80, v2, vm0, $0xb8;
	[tilespmem:$0x10400] =	vst v63  }
0xd8: {  	_ =	swait.ge [sflag:s25], $0x2000  }
0xd9: {  	s31 =	simm.s32 $0x8400;
	[sflag:s25] =	ssyncset.done $0x0  }
0xda: {  	s9 =	sadd.s32 $0x1000, s20;
	s17 =	simm.s32 $0xD;
	[sflag:s25] =	ssyncadd.s32 $0xFFFFE000  }
0xdb: {  	[hbm4b:s9+s3] =	stream.linear.scatter [tilespmem:s31], [sflag:$0xD], $0x2000, $0x38;
	[tilespmem:$0x10400] =	vst v63  }
0xdc: {  	_ =	swait.ge [sflag:s17], $0x2000  }
0xdd: {  	[sflag:s17] =	ssyncset.done $0x0  }
0xde: {  	[sflag:s17] =	ssyncadd.s32 $0xFFFFE000  }
0xdf: {  	v2 =	vld.msk [tilespmem:s26+$0xFFFFFFE8], $0xff;
	_ =	sdelay $0x4  }
0xe0: {  	v3 =	vshll.u32 v2, $0x3  }
0xe1: {  	v2 =	vand.u32 $0x7, v2;
	v3 =	vand.u32 $0xFFFFFFC0, v3  }
0xe2: {  	v2 =	vor.u32 v2, v3  }
0xe3: {  	v2 =	vperm.xlane v2, v0;
	_ =	sdelay $0x1  }
0xe4: {  	v2 =	vadd.s32 v1, v2;
	_ =	sdelay $0x4  }
0xe5: {  	[tilespmem:s31], [sflag:$0x5] =	stream.indirect_vreg.gather [hbm4b:s1+s3], $0x80, v2, vm0, $0xb8;
	[tilespmem:$0x10400] =	vst v63  }
0xe6: {  	s31 =	simm.s32 $0x8C00  }
0xe7: {  	[tilespmem:s31], [sflag:$0x5] =	stream.indirect_vreg.gather [hbm4b:s5+s3], $0x80, v2, vm0, $0xb8;
	[tilespmem:$0x10400] =	vst v63  }
0xe8: {  	s18 =	simm.s32 $0x9400  }
0xe9: {  	[tilespmem:s18], [sflag:$0x5] =	stream.indirect_vreg.gather [hbm4b:s6+s3], $0x80, v2, vm0, $0xb8;
	[tilespmem:$0x10400] =	vst v63  }
0xea: {  	s24 =	simm.s32 $0x9C00  }
0xeb: {  	[tilespmem:s24], [sflag:$0x5] =	stream.indirect_vreg.gather [hbm4b:s7+s3], $0x80, v2, vm0, $0xb8;
	[tilespmem:$0x10400] =	vst v63  }
0xec: {  	_ =	swait.ge [sflag:s22], $0x2000  }
0xed: {  	s0 =	sadd.s32 $0x1400, s20;
	[sflag:s22] =	ssyncset.done $0x0  }
0xee: {  	s4 =	simm.s32 $0xE;
	s17 =	simm.s32 $0xA400;
	[sflag:s22] =	ssyncadd.s32 $0xFFFFE000  }
0xef: {  	[hbm4b:s0+s3] =	stream.linear.scatter [tilespmem:s17], [sflag:$0xE], $0x2000, $0x38;
	[tilespmem:$0x10400] =	vst v63  }
0xf0: {  	_ =	swait.ge [sflag:s4], $0x2000  }
0xf1: {  	[sflag:s4] =	ssyncset.done $0x0  }
0xf2: {  	[sflag:s4] =	ssyncadd.s32 $0xFFFFE000  }
0xf3: {  	v2 =	vld.msk [tilespmem:s26+$0xFFFFFFF0], $0xff;
	_ =	sdelay $0x4  }
0xf4: {  	v3 =	vshll.u32 v2, $0x3  }
0xf5: {  	v2 =	vand.u32 $0x7, v2;
	v3 =	vand.u32 $0xFFFFFFC0, v3  }
0xf6: {  	v2 =	vor.u32 v2, v3  }
0xf7: {  	v2 =	vperm.xlane v2, v0;
	_ =	sdelay $0x1  }
0xf8: {  	v2 =	vadd.s32 v1, v2;
	_ =	sdelay $0x4  }
0xf9: {  	[tilespmem:s17], [sflag:$0x6] =	stream.indirect_vreg.gather [hbm4b:s1+s3], $0x80, v2, vm0, $0xb8;
	[tilespmem:$0x10400] =	vst v63  }
0xfa: {  	s17 =	simm.s32 $0xAC00  }
0xfb: {  	[tilespmem:s17], [sflag:$0x6] =	stream.indirect_vreg.gather [hbm4b:s5+s3], $0x80, v2, vm0, $0xb8;
	[tilespmem:$0x10400] =	vst v63  }
0xfc: {  	s4 =	simm.s32 $0xB400  }
0xfd: {  	[tilespmem:s4], [sflag:$0x6] =	stream.indirect_vreg.gather [hbm4b:s6+s3], $0x80, v2, vm0, $0xb8;
	[tilespmem:$0x10400] =	vst v63  }
0xfe: {  	s9 =	simm.s32 $0xBC00  }
0xff: {  	[tilespmem:s9], [sflag:$0x6] =	stream.indirect_vreg.gather [hbm4b:s7+s3], $0x80, v2, vm0, $0xb8;
	[tilespmem:$0x10400] =	vst v63  }
0x100: {  	_ =	swait.ge [sflag:s19], $0x2000  }
0x101: {  	s18 =	sadd.s32 $0x1800, s20;
	[sflag:s19] =	ssyncset.done $0x0  }
0x102: {  	s4 =	simm.s32 $0xC400;
	s9 =	simm.s32 $0xF;
	[sflag:s19] =	ssyncadd.s32 $0xFFFFE000  }
0x103: {  	[hbm4b:s18+s3] =	stream.linear.scatter [tilespmem:s4], [sflag:$0xF], $0x2000, $0x38;
	[tilespmem:$0x10400] =	vst v63  }
0x104: {  	_ =	swait.ge [sflag:s9], $0x2000  }
0x105: {  	[sflag:s9] =	ssyncset.done $0x0  }
0x106: {  	[sflag:s9] =	ssyncadd.s32 $0xFFFFE000  }
0x107: {  	v2 =	vld.msk [tilespmem:s26+$0xFFFFFFF8], $0xff;
	_ =	sdelay $0x4  }
0x108: {  	v3 =	vshll.u32 v2, $0x3  }
0x109: {  	v2 =	vand.u32 $0x7, v2;
	v3 =	vand.u32 $0xFFFFFFC0, v3  }
0x10a: {  	v2 =	vor.u32 v2, v3  }
0x10b: {  	v2 =	vperm.xlane v2, v0;
	_ =	sdelay $0x1  }
0x10c: {  	v2 =	vadd.s32 v1, v2;
	_ =	sdelay $0x4  }
0x10d: {  	[tilespmem:s4], [sflag:$0x7] =	stream.indirect_vreg.gather [hbm4b:s1+s3], $0x80, v2, vm0, $0xb8;
	[tilespmem:$0x10400] =	vst v63  }
0x10e: {  	s4 =	simm.s32 $0xCC00  }
0x10f: {  	[tilespmem:s4], [sflag:$0x7] =	stream.indirect_vreg.gather [hbm4b:s5+s3], $0x80, v2, vm0, $0xb8;
	[tilespmem:$0x10400] =	vst v63  }
0x110: {  	s24 =	simm.s32 $0xD400  }
0x111: {  	[tilespmem:s24], [sflag:$0x7] =	stream.indirect_vreg.gather [hbm4b:s6+s3], $0x80, v2, vm0, $0xb8;
	[tilespmem:$0x10400] =	vst v63  }
0x112: {  	s24 =	simm.s32 $0xDC00  }
0x113: {  	[tilespmem:s24], [sflag:$0x7] =	stream.indirect_vreg.gather [hbm4b:s7+s3], $0x80, v2, vm0, $0xb8;
	[tilespmem:$0x10400] =	vst v63  }
0x114: {  	_ =	swait.ge [sflag:s14], $0x2000  }
0x115: {  	[sflag:s14] =	ssyncset.done $0x0  }
0x116: {  	s20 =	sadd.s32 $0x1C00, s20;
	s24 =	simm.s32 $0xE400;
	[sflag:s14] =	ssyncadd.s32 $0xFFFFE000  }
0x117: {  	[hbm4b:s20+s3] =	stream.linear.scatter [tilespmem:s24], [sflag:$0x10], $0x2000, $0x38;
	[tilespmem:$0x10400] =	vst v63  }
0x118: {  	s20 =	simm.s32 $0x10  }
0x119: {  	_ =	swait.ge [sflag:s20], $0x2000  }
0x11a: {  	[sflag:s20] =	ssyncset.done $0x0  }
0x11b: {  	[sflag:s20] =	ssyncadd.s32 $0xFFFFE000  }
0x11c: {  	v2 =	vld.msk [tilespmem:s26+$0x0], $0xff;
	_ =	sdelay $0x4  }
0x11d: {  	v3 =	vshll.u32 v2, $0x3  }
0x11e: {  	v2 =	vand.u32 $0x7, v2;
	v3 =	vand.u32 $0xFFFFFFC0, v3  }
0x11f: {  	v2 =	vor.u32 v2, v3  }
0x120: {  	v2 =	vperm.xlane v2, v0;
	_ =	sdelay $0x1  }
0x121: {  	v2 =	vadd.s32 v1, v2;
	_ =	sdelay $0x3  }
0x122: {  	s29 =	simm.s32 $0x400;
	s2 =	simm.s32 $0x2400;
	s30 =	simm.s32 $0x8400  }
0x123: {  	[tilespmem:s24], [sflag:$0x8] =	stream.indirect_vreg.gather [hbm4b:s1+s3], $0x80, v2, vm0, $0xb8;
	[tilespmem:$0x10400] =	vst v63  }
0x124: {  	p0 =	sne.s32 s28, $0x1C000;
	s28 =	sadd.s32 $0x2000, s28;
	s24 =	simm.s32 $0xEC00  }
0x125: {  	[tilespmem:s24], [sflag:$0x8] =	stream.indirect_vreg.gather [hbm4b:s5+s3], $0x80, v2, vm0, $0xb8;
	[tilespmem:$0x10400] =	vst v63  }
.Ltmp0:
0x126: {  	s8 =	simm.s32 $0x4400;
	s12 =	simm.s32 $0x6400;
	(pc) =	sbr.rel @p0 .LBB2_2-.Ltmp0, $4  }
0x127: {  	s0 =	simm.s32 $0xA400;
	s18 =	simm.s32 $0xC400;
	s24 =	simm.s32 $0xF400  }
0x128: {  	[tilespmem:s24], [sflag:$0x8] =	stream.indirect_vreg.gather [hbm4b:s6+s3], $0x80, v2, vm0, $0xb8;
	[tilespmem:$0x10400] =	vst v63  }
0x129: {  	s9 =	simm.s32 $0xE400;
	s26 =	sadd.s32 $0x40, s26;
	s24 =	simm.s32 $0xFC00  }
0x12a: {  	[tilespmem:s24], [sflag:$0x8] =	stream.indirect_vreg.gather [hbm4b:s7+s3], $0x80, v2, vm0, $0xb8;
	[tilespmem:$0x10400] =	vst v63  }
0x12b: {  	_ =	swait.ge [sflag:s10], $0x2000  }
0x12c: {  	[sflag:s10] =	ssyncset.done $0x0  }
0x12d: {  	s20 =	rddreg [dreg:$0x6];
	[sflag:s10] =	ssyncadd.s32 $0xFFFFE000  }
0x12e: {  	[hbm4b:s20+s3] =	stream.linear.scatter [tilespmem:s29], [sflag:$0x9], $0x2000, $0x38;
	[tilespmem:$0x10400] =	vst v63  }
0x12f: {  	_ =	swait.ge [sflag:s13], $0x2000  }
0x130: {  	[sflag:s13] =	ssyncset.done $0x0  }
0x131: {  	s10 =	rddreg [dreg:$0x7];
	[sflag:s13] =	ssyncadd.s32 $0xFFFFE000  }
0x132: {  	[hbm4b:s10+s3] =	stream.linear.scatter [tilespmem:s2], [sflag:$0xA], $0x2000, $0x38;
	[tilespmem:$0x10400] =	vst v63  }
0x133: {  	_ =	swait.ge [sflag:s15], $0x2000  }
0x134: {  	[sflag:s15] =	ssyncset.done $0x0  }
0x135: {  	s24 =	rddreg [dreg:$0x8];
	[sflag:s15] =	ssyncadd.s32 $0xFFFFE000  }
0x136: {  	[hbm4b:s24+s3] =	stream.linear.scatter [tilespmem:s8], [sflag:$0xB], $0x2000, $0x38;
	[tilespmem:$0x10400] =	vst v63  }
0x137: {  	_ =	swait.ge [sflag:s21], $0x2000  }
0x138: {  	[sflag:s21] =	ssyncset.done $0x0  }
0x139: {  	s26 =	rddreg [dreg:$0x9];
	[sflag:s21] =	ssyncadd.s32 $0xFFFFE000  }
0x13a: {  	[hbm4b:s26+s3] =	stream.linear.scatter [tilespmem:s12], [sflag:$0xC], $0x2000, $0x38;
	[tilespmem:$0x10400] =	vst v63  }
0x13b: {  	_ =	swait.ge [sflag:s25], $0x2000  }
0x13c: {  	[sflag:s25] =	ssyncset.done $0x0  }
0x13d: {  	s10 =	rddreg [dreg:$0xa];
	[sflag:s25] =	ssyncadd.s32 $0xFFFFE000  }
0x13e: {  	[hbm4b:s10+s3] =	stream.linear.scatter [tilespmem:s30], [sflag:$0xD], $0x2000, $0x38;
	[tilespmem:$0x10400] =	vst v63  }
0x13f: {  	_ =	swait.ge [sflag:s22], $0x2000  }
0x140: {  	[sflag:s22] =	ssyncset.done $0x0  }
0x141: {  	s24 =	rddreg [dreg:$0xb];
	[sflag:s22] =	ssyncadd.s32 $0xFFFFE000  }
0x142: {  	[hbm4b:s24+s3] =	stream.linear.scatter [tilespmem:s0], [sflag:$0xE], $0x2000, $0x38;
	[tilespmem:$0x10400] =	vst v63  }
0x143: {  	_ =	swait.ge [sflag:s19], $0x2000  }
0x144: {  	[sflag:s19] =	ssyncset.done $0x0  }
0x145: {  	s26 =	rddreg [dreg:$0xc];
	[sflag:s19] =	ssyncadd.s32 $0xFFFFE000  }
0x146: {  	[hbm4b:s26+s3] =	stream.linear.scatter [tilespmem:s18], [sflag:$0xF], $0x2000, $0x38;
	[tilespmem:$0x10400] =	vst v63  }
0x147: {  	_ =	swait.ge [sflag:s14], $0x2000  }
0x148: {  	[sflag:s14] =	ssyncset.done $0x0  }
0x149: {  	s10 =	rddreg [dreg:$0xd];
	[sflag:s14] =	ssyncadd.s32 $0xFFFFE000  }
0x14a: {  	[hbm4b:s10+s3] =	stream.linear.scatter [tilespmem:s9], [sflag:$0x10], $0x2000, $0x38;
	[tilespmem:$0x10400] =	vst v63  }
0x14b: {  	_ =	swait.ge [sflag:s11], $0x2000  }
0x14c: {  	[sflag:s11] =	ssyncset.done $0x0  }
0x14d: {  	[sflag:s11] =	ssyncadd.s32 $0xFFFFE000;
	s11 =	simm.s32 $0xA  }
0x14e: {  	_ =	swait.ge [sflag:s11], $0x2000  }
0x14f: {  	[sflag:s11] =	ssyncset.done $0x0  }
0x150: {  	s20 =	simm.s32 $0xB;
	[sflag:s11] =	ssyncadd.s32 $0xFFFFE000  }
0x151: {  	_ =	swait.ge [sflag:s20], $0x2000  }
0x152: {  	[sflag:s20] =	ssyncset.done $0x0  }
0x153: {  	s24 =	simm.s32 $0xC;
	[sflag:s20] =	ssyncadd.s32 $0xFFFFE000  }
0x154: {  	_ =	swait.ge [sflag:s24], $0x2000  }
0x155: {  	[sflag:s24] =	ssyncset.done $0x0  }
0x156: {  	s26 =	simm.s32 $0xD;
	[sflag:s24] =	ssyncadd.s32 $0xFFFFE000  }
0x157: {  	_ =	swait.ge [sflag:s26], $0x2000  }
0x158: {  	[sflag:s26] =	ssyncset.done $0x0  }
0x159: {  	s11 =	simm.s32 $0xE;
	[sflag:s26] =	ssyncadd.s32 $0xFFFFE000  }
0x15a: {  	_ =	swait.ge [sflag:s11], $0x2000  }
0x15b: {  	[sflag:s11] =	ssyncset.done $0x0  }
0x15c: {  	s20 =	simm.s32 $0xF;
	[sflag:s11] =	ssyncadd.s32 $0xFFFFE000  }
0x15d: {  	_ =	swait.ge [sflag:s20], $0x2000  }
0x15e: {  	[sflag:s20] =	ssyncset.done $0x0  }
0x15f: {  	s11 =	simm.s32 $0x10;
	[sflag:s20] =	ssyncadd.s32 $0xFFFFE000  }
0x160: {  	_ =	swait.ge [sflag:s11], $0x2000  }
0x161: {  	s24 =	rddreg [dreg:$0xf]  }
0x162: {  	s26 =	rddreg [dreg:$0xe];
	s10 =	sadd.s32 $0x1, s24  }
0x163: {  	p0 =	sne.s32 s10, s26  }
.Ltmp1:
0x164: {  	_ = 	snop;
	(pc) =	sbr.rel @p0 .LBB2_1-.Ltmp1, $3  }
0x165: {  	_ =	sdelay $0x1  }
0x166: {  	[sflag:s11] =	ssyncset.done $0x0  }
0x167: {  	s28 =	simm.s32 $0x1C00;
	[sflag:s11] =	ssyncadd.s32 $0xFFFFE000  }
0x168: {  	_ =	sfence.sel $0x180000  }
0x169: {  	[bflag:$0x0] =	sbarrier.arrive $0xFFFF  }
0x16a: {  	_ =	strace $0x90000047  }
0x16b: {  	s0 =	stileid.u32;
	[bflag:$0x2] =	sbarrier.arrive $0xFFFF  }
0x16c: {  	p0 =	sne.s32 s0, $0x0;
	s0 =	rddreg [dreg:$0x3]  }
0x16d: {  	s0 =	sadd.s32 @!p0 $0x100000, s0  }
0x16e: {  	[sflag:s0] =	ssyncadd.tile.s32 @!p0 $0x1;
	_ =	shalt  }
.Lfunc_end2:
_tile_overlayer_lowered:
.L_overlay_start_2:
0x16f: {  	(tag) =	ssettag $0x2  }
0x170: {  	s0 =	rddreg [dreg:$0x0];
	s2 =	stileid.u32  }
0x171: {  	s1 =	rddreg [dreg:$0x1];
	p0 =	sne.s32 s2, $0x0  }
0x172: {  	s3 =	rddreg [dreg:$0x2];
	[bflag:$0x3] =	sbarrier.arrive $0xFFFF;
	s2 =	simm.s32 @!p0 $0x1C11  }
0x173: {  	[timem:s3], [sflag:s2] =	dma.local @!p0 [hbm:s0], s1  }
0x174: {  	s0 =	simm.s32 @!p0 $0x11  }
0x175: {  	_ =	swait.ge @!p0 [sflag:s0], s1  }
0x176: {  	s1 =	ssub.s32 @!p0 $0x0, s1;
	[sflag:s0] =	ssyncset.done @!p0 $0x0  }
0x177: {  	[sflag:s0] =	ssyncadd.s32 @!p0 s1  }
0x178: {  	[bflag:$0x3] =	sbarrier.arrive $0xFFFF  }
0x179: {  	_ =	shalt  }

</sc_bundles>
